<compile_context>
chip_gen: v7x
topology: tpu7x:2x2x1
jax: 0.10.2.dev20260603
libtpu: 0.0.44.dev20260713+nightly
codegen_flags: <defaults>
</compile_context>

<pallas_src>
import functools

import jax
import jax.numpy as jnp
from jax import lax
from jax.experimental import pallas as pl
from jax.experimental.pallas import tpu as pltpu
from jax.experimental.pallas import tpu_sc as plsc

N_NODES = 100000
N_EDGES = 6400000
NC = 2
NS = 16
NW = NC * NS
CHUNK = 3200
NCHUNK_G = N_EDGES // CHUNK
SLOTS = -(-NCHUNK_G // NW)
PAIRS = (SLOTS + 1) // 2
STEPS = CHUNK // 16

_C0 = 0.00014151217537855532
_C1 = 0.9954273382579939
_C2 = -0.4640725804471406
_C3 = 0.21641043832783918
_C4 = -0.054862852862074235


def _edge_loss(x, valid):
    nax = plsc.bitcast(plsc.bitcast(x, jnp.int32) | jnp.int32(-2147483648),
                       jnp.float32)
    u = jnp.exp(nax)
    p = jnp.float32(_C4)
    p = p * u + jnp.float32(_C3)
    p = p * u + jnp.float32(_C2)
    p = p * u + jnp.float32(_C1)
    l1p = p * u + jnp.float32(_C0)
    sp = jnp.maximum(x, jnp.float32(0.0)) + l1p
    return jnp.minimum(sp - valid * x, jnp.float32(100.0))


def _body(nodes_hbm, scores_hbm, ind_hbm, adj_hbm, out_hbm,
          class_tbl, adj_tbl, ind_buf, scr_buf, sem0, sem1):
    cid = lax.axis_index("c")
    sid = lax.axis_index("s")
    wid = cid * NS + sid

    pltpu.sync_copy(nodes_hbm, class_tbl)
    pltpu.sync_copy(adj_hbm, adj_tbl)

    sems = (sem0, sem1)

    def chunk_of(m):
        return wid + m * NW

    def refs(g, slot):
        col = g * CHUNK
        dslc = pl.ds(slot * CHUNK, CHUNK)
        return ((ind_hbm.at[:, pl.ds(col, CHUNK)], ind_buf.at[:, dslc]),
                (scores_hbm.at[pl.ds(col, CHUNK)], scr_buf.at[dslc]))

    def start(m, slot):
        g = chunk_of(m)

        @pl.when(g < NCHUNK_G)
        def _():
            (isrc, idst), (ssrc, sdst) = refs(g, slot)
            pltpu.async_copy(isrc, idst, sems[slot])
            pltpu.async_copy(ssrc, sdst, sems[slot])

    def wait(m, slot):
        g = chunk_of(m)

        @pl.when(g < NCHUNK_G)
        def _():
            (isrc, idst), (ssrc, sdst) = refs(g, slot)
            pltpu.make_async_copy(isrc, idst, sems[slot]).wait()
            pltpu.make_async_copy(ssrc, sdst, sems[slot]).wait()

    def compute(m, slot, acc):
        sbase = slot * CHUNK

        lane = lax.iota(jnp.int32, 16)

        def one(off):
            sl = pl.ds(off, 16)
            sv = ind_buf[0, sl]
            dv = ind_buf[1, sl]
            s16 = plsc.load_gather(class_tbl, [sv])
            d16 = plsc.load_gather(class_tbl, [dv])
            key = (s16 << 4) | d16 | lane
            valid = plsc.load_gather(adj_tbl, [key])
            x = scr_buf[sl]
            return _edge_loss(x, valid)

        def step(j, accs):
            a0, a1 = accs
            off = sbase + j * 32
            return a0 + one(off), a1 + one(off + 16)

        def run():
            return lax.fori_loop(0, STEPS // 2, step, acc, unroll=4)

        return lax.cond(chunk_of(m) < NCHUNK_G, run, lambda: acc)

    start(0, 0)

    def pair_body(k, acc):
        m0 = k * 2
        start(m0 + 1, 1)
        wait(m0, 0)
        acc = compute(m0, 0, acc)
        start(m0 + 2, 0)
        wait(m0 + 1, 1)
        return compute(m0 + 1, 1, acc)

    zero = jnp.zeros((16,), jnp.float32)
    a0, a1 = lax.fori_loop(0, PAIRS, pair_body, (zero, zero))

    scr_buf[pl.ds(0, 16)] = a0 + a1
    pltpu.sync_copy(scr_buf.at[pl.ds(0, 16)], out_hbm.at[pl.ds(wid * 16, 16)])


@functools.partial(jax.jit, static_argnames=())
def kernel(node_classes, edge_scores, edge_indices, valid_adjacency):
    assert edge_indices.shape == (2, N_EDGES)
    assert node_classes.shape == (N_NODES,)
    scores_flat = edge_scores.reshape(-1)
    adj16 = jnp.zeros((16, 16), jnp.float32).at[:11, :11].set(valid_adjacency)
    adj_rep = jnp.repeat(adj16.reshape(-1), 16)

    mesh = plsc.VectorSubcoreMesh(core_axis_name="c", subcore_axis_name="s")
    partials = pl.kernel(
        _body,
        out_type=jax.ShapeDtypeStruct((NW * 16,), jnp.float32),
        mesh=mesh,
        scratch_types=[
            pltpu.VMEM((N_NODES,), jnp.int32),
            pltpu.VMEM((4096,), jnp.float32),
            pltpu.VMEM((2, 2 * CHUNK), jnp.int32),
            pltpu.VMEM((2 * CHUNK,), jnp.float32),
            pltpu.SemaphoreType.DMA,
            pltpu.SemaphoreType.DMA,
        ],
        compiler_params=pltpu.CompilerParams(needs_layout_passes=False),
    )(node_classes * 16, scores_flat, edge_indices, adj_rep)

    return jnp.sum(partials) / jnp.float32(N_EDGES)

# --- scband reference (transcript-rebuilt; emitter-appended) ---
"""Pipeline reference for scband-relationship-consistency-loss-35175782154851 (READ-ONLY COPY).

The authoritative reference and input builder live on the scoring server;
editing this copy changes nothing except your own understanding.
"""

import jax, jax.numpy as jnp
import numpy as np

CLASS_NAMES = ['noteheadBlack', 'noteheadHalf', 'stem', 'beam', 'slur', 'tie', 'accidentalSharp', 'accidentalFlat', 'flag8thUp', 'flag8thDown', 'kStaffLine']
RELATIONSHIP_RULES = {
    'noteheadBlack': ['stem', 'beam', 'kStaffLine', 'slur', 'tie', 'accidentalSharp', 'accidentalFlat'],
    'noteheadHalf': ['stem', 'kStaffLine', 'slur', 'tie', 'accidentalSharp', 'accidentalFlat'],
    'stem': ['noteheadBlack', 'noteheadHalf', 'beam', 'flag8thUp', 'flag8thDown'],
    'beam': ['stem', 'noteheadBlack'],
    'slur': ['noteheadBlack', 'noteheadHalf'],
    'tie': ['noteheadBlack', 'noteheadHalf'],
    'accidentalSharp': ['noteheadBlack', 'noteheadHalf', 'kStaffLine'],
    'accidentalFlat': ['noteheadBlack', 'noteheadHalf', 'kStaffLine'],
    'flag8thUp': ['stem'],
    'flag8thDown': ['stem'],
}

N_NODES = 100000
N_EDGES = 6400000
N_CLASSES = len(CLASS_NAMES)


def build_valid_adjacency():
    c2i = {name: i for i, name in enumerate(CLASS_NAMES)}
    A = np.zeros((N_CLASSES, N_CLASSES), dtype=np.float32)
    for src_class, dst_classes in RELATIONSHIP_RULES.items():
        if src_class in c2i:
            si = c2i[src_class]
            for dst_class in dst_classes:
                if dst_class in c2i:
                    A[si, c2i[dst_class]] = 1.0
    return jnp.asarray(A)


def setup_inputs(seed: int = 0) -> dict:
    key = jax.random.key(seed)
    k1, k2, k3 = jax.random.split(key, 3)
    node_classes = jax.random.randint(k1, (N_NODES,), 0, N_CLASSES, dtype=jnp.int32)
    edge_scores = jax.random.normal(k2, (N_EDGES, 1), dtype=jnp.float32)
    edge_indices = jax.random.randint(k3, (2, N_EDGES), 0, N_NODES, dtype=jnp.int32)
    valid_adjacency = build_valid_adjacency()
    return {
        'node_classes': node_classes,
        'edge_scores': edge_scores,
        'edge_indices': edge_indices,
        'valid_adjacency': valid_adjacency,
    }


def reference(node_classes, edge_scores, edge_indices, valid_adjacency):
    # gather endpoint classes (SparseCore gathers)
    src_idx = edge_indices[0]
    dst_idx = edge_indices[1]
    src_classes = jnp.take(node_classes, src_idx, axis=0)
    dst_classes = jnp.take(node_classes, dst_idx, axis=0)
    # adjacency lookup per edge (vectorized version of the python loop;
    # all class ids are < N_CLASSES so the bounds check always passes,
    # matching torch semantics where out-of-range leaves 0)
    in_range = (src_classes < valid_adjacency.shape[0]) & (dst_classes < valid_adjacency.shape[1])
    valid_edges = valid_adjacency[src_classes, dst_classes]
    valid_edges = jnp.where(in_range, valid_edges, 0.0)
    # binary cross entropy with torch-style clamped logs
    edge_probs = jax.nn.sigmoid(edge_scores).squeeze(-1)
    log_p = jnp.clip(jnp.log(edge_probs), -100.0, None)
    log_1mp = jnp.clip(jnp.log(1.0 - edge_probs), -100.0, None)
    loss = -(valid_edges * log_p + (1.0 - valid_edges) * log_1mp)
    return jnp.mean(loss)


if False:  # reference __main__ guard neutralized (emitter)
    out = reference(**setup_inputs())
    print(out)

if __name__ == "__main__":
    import jax
    _d = setup_inputs()
    print(jax.jit(kernel)(*tuple(_d.values())))

</pallas_src>

<mosaic_0001>
#map = affine_map<(d0, d1) -> (0)>
#map1 = affine_map<(d0, d1) -> (0, 0)>
module attributes {stable_mosaic.version = 14 : i64} {
  func.func @_body(%arg0: i32, %arg1: i32, %arg2: memref<100000xi32, #tpu.memory_space<hbm>>, %arg3: memref<6400000xf32, #tpu.memory_space<hbm>>, %arg4: memref<2x6400000xi32, #tpu.memory_space<hbm>>, %arg5: memref<4096xf32, #tpu.memory_space<hbm>>, %arg6: memref<512xf32, #tpu.memory_space<hbm>>, %arg7: memref<100000xi32, #tpu.memory_space<vmem>>, %arg8: memref<4096xf32, #tpu.memory_space<vmem>>, %arg9: memref<2x6400xi32, #tpu.memory_space<vmem>>, %arg10: memref<6400xf32, #tpu.memory_space<vmem>>, %arg11: memref<!tpu.dma_semaphore, #tpu.memory_space<semaphore_mem>>, %arg12: memref<!tpu.dma_semaphore, #tpu.memory_space<semaphore_mem>>) attributes {dimension_semantics = [#tpu.dimension_semantics<core_parallel>, #tpu.dimension_semantics<subcore_parallel>], iteration_bounds = array<i64: 2, 16>, scalar_prefetch = 0 : i64, scratch_operands = 6 : i64, tpu.core_type = #tpu.core_type<sc_vector_subcore>, window_params = [{transform_indices = #map}, {transform_indices = #map}, {transform_indices = #map1}, {transform_indices = #map}, {transform_indices = #map}]} {
    %mul3A = arith.constant 16 : i32
    %mul3A_0 = arith.muli %arg0, %mul3A : i32
    %add3A = arith.addi %mul3A_0, %arg1 : i32
    "tpu.region"() ({
      %run_scoped3A = tpu.sem_alloc : memref<!tpu.dma_semaphore, #tpu.memory_space<semaphore_mem>>
      tpu.enqueue_dma source(%arg2 : memref<100000xi32, #tpu.memory_space<hbm>>) target(%arg7 : memref<100000xi32, #tpu.memory_space<vmem>>) target_semaphore(%run_scoped3A : memref<!tpu.dma_semaphore, #tpu.memory_space<semaphore_mem>>)
      tpu.wait_dma2 semaphore(%run_scoped3A : memref<!tpu.dma_semaphore, #tpu.memory_space<semaphore_mem>>) src(%arg2 : memref<100000xi32, #tpu.memory_space<hbm>>) dst(%arg7 : memref<100000xi32, #tpu.memory_space<vmem>>)
      tpu.yield
    }) : () -> ()
    "tpu.region"() ({
      %run_scoped3A = tpu.sem_alloc : memref<!tpu.dma_semaphore, #tpu.memory_space<semaphore_mem>>
      tpu.enqueue_dma source(%arg5 : memref<4096xf32, #tpu.memory_space<hbm>>) target(%arg8 : memref<4096xf32, #tpu.memory_space<vmem>>) target_semaphore(%run_scoped3A : memref<!tpu.dma_semaphore, #tpu.memory_space<semaphore_mem>>)
      tpu.wait_dma2 semaphore(%run_scoped3A : memref<!tpu.dma_semaphore, #tpu.memory_space<semaphore_mem>>) src(%arg5 : memref<4096xf32, #tpu.memory_space<hbm>>) dst(%arg8 : memref<4096xf32, #tpu.memory_space<vmem>>)
      tpu.yield
    }) : () -> ()
    %add3A_1 = arith.constant 0 : i32
    %add3A_2 = arith.addi %add3A, %add3A_1 : i32
    %lt3A = arith.constant 2000 : i32
    %lt3A_3 = arith.cmpi slt, %add3A_2, %lt3A : i32
    %convert_element_type3A = arith.extui %lt3A_3 : i1 to i32
    %cond3A = arith.constant 0 : i32
    %cond3A_4 = arith.cmpi ne, %convert_element_type3A, %cond3A : i32
    scf.if %cond3A_4 {
      %mul3A_15 = arith.constant 3200 : i32
      %mul3A_16 = arith.muli %add3A_2, %mul3A_15 : i32
      %dma_start3A = arith.constant 0 : i32
      %dma_start3A_17 = arith.constant 0 : i32
      %dma_start3A_18 = tpu.memref_slice %arg9[%dma_start3A, %dma_start3A_17] : memref<2x6400xi32, #tpu.memory_space<vmem>> -> memref<2x3200xi32, #tpu.memory_space<vmem>>
      %dma_start3A_19 = arith.constant 0 : i32
      %dma_start3A_20 = tpu.memref_slice %arg4[%dma_start3A_19, %mul3A_16] : memref<2x6400000xi32, #tpu.memory_space<hbm>> -> memref<2x3200xi32, #tpu.memory_space<hbm>>
      %dma_start3A_21 = arith.constant 0 : i32
      %dma_start3A_22 = arith.constant 0 : i32
      %dma_start3A_23 = tpu.memref_slice %arg9[%dma_start3A_21, %dma_start3A_22] : memref<2x6400xi32, #tpu.memory_space<vmem>> -> memref<2x3200xi32, #tpu.memory_space<vmem>>
      %dma_start3A_24 = arith.constant 0 : i32
      %dma_start3A_25 = tpu.memref_slice %arg4[%dma_start3A_24, %mul3A_16] : memref<2x6400000xi32, #tpu.memory_space<hbm>> -> memref<2x3200xi32, #tpu.memory_space<hbm>>
      tpu.enqueue_dma source(%dma_start3A_25 : memref<2x3200xi32, #tpu.memory_space<hbm>>) target(%dma_start3A_23 : memref<2x3200xi32, #tpu.memory_space<vmem>>) target_semaphore(%arg11 : memref<!tpu.dma_semaphore, #tpu.memory_space<semaphore_mem>>)
      %dma_start3A_26 = arith.constant 0 : i32
      %dma_start3A_27 = tpu.memref_slice %arg10[%dma_start3A_26] : memref<6400xf32, #tpu.memory_space<vmem>> -> memref<3200xf32, #tpu.memory_space<vmem>>
      %dma_start3A_28 = tpu.memref_slice %arg3[%mul3A_16] : memref<6400000xf32, #tpu.memory_space<hbm>> -> memref<3200xf32, #tpu.memory_space<hbm>>
      %dma_start3A_29 = arith.constant 0 : i32
      %dma_start3A_30 = tpu.memref_slice %arg10[%dma_start3A_29] : memref<6400xf32, #tpu.memory_space<vmem>> -> memref<3200xf32, #tpu.memory_space<vmem>>
      %dma_start3A_31 = tpu.memref_slice %arg3[%mul3A_16] : memref<6400000xf32, #tpu.memory_space<hbm>> -> memref<3200xf32, #tpu.memory_space<hbm>>
      tpu.enqueue_dma source(%dma_start3A_31 : memref<3200xf32, #tpu.memory_space<hbm>>) target(%dma_start3A_30 : memref<3200xf32, #tpu.memory_space<vmem>>) target_semaphore(%arg11 : memref<!tpu.dma_semaphore, #tpu.memory_space<semaphore_mem>>)
    } else {
    }
    %broadcast_in_dim3A = arith.constant 0.000000e+00 : f32
    %broadcast_in_dim3A_5 = vector.broadcast %broadcast_in_dim3A : f32 to vector<16xf32>
    %scan3A = arith.constant 0 : i32
    %scan3A_6 = arith.constant 32 : i32
    %scan3A_7 = arith.addi %scan3A, %scan3A_6 : i32
    %scan3A_8 = arith.constant 1 : i32
    %scan3A_9:2 = scf.for %scan3A_15 = %scan3A to %scan3A_7 step %scan3A_8 iter_args(%scan3A_16 = %broadcast_in_dim3A_5, %scan3A_17 = %broadcast_in_dim3A_5) -> (vector<16xf32>, vector<16xf32>)  : i32 {
      %mul3A_18 = arith.constant 2 : i32
      %mul3A_19 = arith.muli %scan3A_15, %mul3A_18 : i32
      %add3A_20 = arith.constant 1 : i32
      %add3A_21 = arith.addi %mul3A_19, %add3A_20 : i32
      %mul3A_22 = arith.constant 32 : i32
      %mul3A_23 = arith.muli %add3A_21, %mul3A_22 : i32
      %add3A_24 = arith.addi %add3A, %mul3A_23 : i32
      %lt3A_25 = arith.constant 2000 : i32
      %lt3A_26 = arith.cmpi slt, %add3A_24, %lt3A_25 : i32
      %convert_element_type3A_27 = arith.extui %lt3A_26 : i1 to i32
      %cond3A_28 = arith.constant 0 : i32
      %cond3A_29 = arith.cmpi ne, %convert_element_type3A_27, %cond3A_28 : i32
      scf.if %cond3A_29 {
        %mul3A_79 = arith.constant 3200 : i32
        %mul3A_80 = arith.muli %add3A_24, %mul3A_79 : i32
        %dma_start3A = arith.constant 0 : i32
        %dma_start3A_81 = arith.constant 3200 : i32
        %dma_start3A_82 = tpu.memref_slice %arg9[%dma_start3A, %dma_start3A_81] : memref<2x6400xi32, #tpu.memory_space<vmem>> -> memref<2x3200xi32, #tpu.memory_space<vmem>>
        %dma_start3A_83 = arith.constant 0 : i32
        %dma_start3A_84 = tpu.memref_slice %arg4[%dma_start3A_83, %mul3A_80] : memref<2x6400000xi32, #tpu.memory_space<hbm>> -> memref<2x3200xi32, #tpu.memory_space<hbm>>
        %dma_start3A_85 = arith.constant 0 : i32
        %dma_start3A_86 = arith.constant 3200 : i32
        %dma_start3A_87 = tpu.memref_slice %arg9[%dma_start3A_85, %dma_start3A_86] : memref<2x6400xi32, #tpu.memory_space<vmem>> -> memref<2x3200xi32, #tpu.memory_space<vmem>>
        %dma_start3A_88 = arith.constant 0 : i32
        %dma_start3A_89 = tpu.memref_slice %arg4[%dma_start3A_88, %mul3A_80] : memref<2x6400000xi32, #tpu.memory_space<hbm>> -> memref<2x3200xi32, #tpu.memory_space<hbm>>
        tpu.enqueue_dma source(%dma_start3A_89 : memref<2x3200xi32, #tpu.memory_space<hbm>>) target(%dma_start3A_87 : memref<2x3200xi32, #tpu.memory_space<vmem>>) target_semaphore(%arg12 : memref<!tpu.dma_semaphore, #tpu.memory_space<semaphore_mem>>)
        %dma_start3A_90 = arith.constant 3200 : i32
        %dma_start3A_91 = tpu.memref_slice %arg10[%dma_start3A_90] : memref<6400xf32, #tpu.memory_space<vmem>> -> memref<3200xf32, #tpu.memory_space<vmem>>
        %dma_start3A_92 = tpu.memref_slice %arg3[%mul3A_80] : memref<6400000xf32, #tpu.memory_space<hbm>> -> memref<3200xf32, #tpu.memory_space<hbm>>
        %dma_start3A_93 = arith.constant 3200 : i32
        %dma_start3A_94 = tpu.memref_slice %arg10[%dma_start3A_93] : memref<6400xf32, #tpu.memory_space<vmem>> -> memref<3200xf32, #tpu.memory_space<vmem>>
        %dma_start3A_95 = tpu.memref_slice %arg3[%mul3A_80] : memref<6400000xf32, #tpu.memory_space<hbm>> -> memref<3200xf32, #tpu.memory_space<hbm>>
        tpu.enqueue_dma source(%dma_start3A_95 : memref<3200xf32, #tpu.memory_space<hbm>>) target(%dma_start3A_94 : memref<3200xf32, #tpu.memory_space<vmem>>) target_semaphore(%arg12 : memref<!tpu.dma_semaphore, #tpu.memory_space<semaphore_mem>>)
      } else {
      }
      %mul3A_30 = arith.constant 32 : i32
      %mul3A_31 = arith.muli %mul3A_19, %mul3A_30 : i32
      %add3A_32 = arith.addi %add3A, %mul3A_31 : i32
      %lt3A_33 = arith.constant 2000 : i32
      %lt3A_34 = arith.cmpi slt, %add3A_32, %lt3A_33 : i32
      %convert_element_type3A_35 = arith.extui %lt3A_34 : i1 to i32
      %cond3A_36 = arith.constant 0 : i32
      %cond3A_37 = arith.cmpi ne, %convert_element_type3A_35, %cond3A_36 : i32
      scf.if %cond3A_37 {
        %mul3A_79 = arith.constant 3200 : i32
        %mul3A_80 = arith.muli %add3A_32, %mul3A_79 : i32
        %dma_wait3A = arith.constant 0 : i32
        %dma_wait3A_81 = arith.constant 0 : i32
        %dma_wait3A_82 = tpu.memref_slice %arg9[%dma_wait3A, %dma_wait3A_81] : memref<2x6400xi32, #tpu.memory_space<vmem>> -> memref<2x3200xi32, #tpu.memory_space<vmem>>
        %dma_wait3A_83 = arith.constant 0 : i32
        %dma_wait3A_84 = tpu.memref_slice %arg4[%dma_wait3A_83, %mul3A_80] : memref<2x6400000xi32, #tpu.memory_space<hbm>> -> memref<2x3200xi32, #tpu.memory_space<hbm>>
        %dma_wait3A_85 = arith.constant 0 : i32
        %dma_wait3A_86 = arith.constant 0 : i32
        %dma_wait3A_87 = tpu.memref_slice %arg9[%dma_wait3A_85, %dma_wait3A_86] : memref<2x6400xi32, #tpu.memory_space<vmem>> -> memref<2x3200xi32, #tpu.memory_space<vmem>>
        %dma_wait3A_88 = arith.constant 0 : i32
        %dma_wait3A_89 = tpu.memref_slice %arg4[%dma_wait3A_88, %mul3A_80] : memref<2x6400000xi32, #tpu.memory_space<hbm>> -> memref<2x3200xi32, #tpu.memory_space<hbm>>
        tpu.wait_dma2 semaphore(%arg11 : memref<!tpu.dma_semaphore, #tpu.memory_space<semaphore_mem>>) src(%dma_wait3A_89 : memref<2x3200xi32, #tpu.memory_space<hbm>>) dst(%dma_wait3A_87 : memref<2x3200xi32, #tpu.memory_space<vmem>>)
        %dma_wait3A_90 = arith.constant 0 : i32
        %dma_wait3A_91 = tpu.memref_slice %arg10[%dma_wait3A_90] : memref<6400xf32, #tpu.memory_space<vmem>> -> memref<3200xf32, #tpu.memory_space<vmem>>
        %dma_wait3A_92 = tpu.memref_slice %arg3[%mul3A_80] : memref<6400000xf32, #tpu.memory_space<hbm>> -> memref<3200xf32, #tpu.memory_space<hbm>>
        %dma_wait3A_93 = arith.constant 0 : i32
        %dma_wait3A_94 = tpu.memref_slice %arg10[%dma_wait3A_93] : memref<6400xf32, #tpu.memory_space<vmem>> -> memref<3200xf32, #tpu.memory_space<vmem>>
        %dma_wait3A_95 = tpu.memref_slice %arg3[%mul3A_80] : memref<6400000xf32, #tpu.memory_space<hbm>> -> memref<3200xf32, #tpu.memory_space<hbm>>
        tpu.wait_dma2 semaphore(%arg11 : memref<!tpu.dma_semaphore, #tpu.memory_space<semaphore_mem>>) src(%dma_wait3A_95 : memref<3200xf32, #tpu.memory_space<hbm>>) dst(%dma_wait3A_94 : memref<3200xf32, #tpu.memory_space<vmem>>)
      } else {
      }
      %iota3A = tpu.iota {dimensions = array<i32: 0>} : vector<16xi32>
      %mul3A_38 = arith.constant 32 : i32
      %mul3A_39 = arith.muli %mul3A_19, %mul3A_38 : i32
      %add3A_40 = arith.addi %add3A, %mul3A_39 : i32
      %lt3A_41 = arith.constant 2000 : i32
      %lt3A_42 = arith.cmpi slt, %add3A_40, %lt3A_41 : i32
      %convert_element_type3A_43 = arith.extui %lt3A_42 : i1 to i32
      %cond3A_44 = arith.constant 0 : i32
      %cond3A_45 = arith.cmpi ne, %convert_element_type3A_43, %cond3A_44 : i32
      %cond3A_46:2 = scf.if %cond3A_45 -> (vector<16xf32>, vector<16xf32>) {
        %scan3A_79 = arith.constant 0 : i32
        %scan3A_80 = arith.constant 100 : i32
        %scan3A_81 = arith.addi %scan3A_79, %scan3A_80 : i32
        %scan3A_82 = arith.constant 4 : i32
        %scan3A_83:2 = scf.for %scan3A_85 = %scan3A_79 to %scan3A_81 step %scan3A_82 iter_args(%scan3A_86 = %scan3A_16, %scan3A_87 = %scan3A_17) -> (vector<16xf32>, vector<16xf32>)  : i32 {
          %mul3A_88 = arith.constant 32 : i32
          %mul3A_89 = arith.muli %scan3A_85, %mul3A_88 : i32
          %add3A_90 = arith.constant 0 : i32
          %add3A_91 = arith.addi %add3A_90, %mul3A_89 : i32
          %get3A = arith.constant 0 : i32
          %get3A_92 = arith.index_cast %get3A : i32 to index
          %get3A_93 = arith.index_cast %add3A_91 : i32 to index
          %get3A_94 = tpu.vector_load %arg9[%get3A_92, %get3A_93] {strides = array<i32>} : memref<2x6400xi32, #tpu.memory_space<vmem>>, vector<16xi32>,
          %get3A_95 = arith.constant 1 : i32
          %get3A_96 = arith.index_cast %get3A_95 : i32 to index
          %get3A_97 = arith.index_cast %add3A_91 : i32 to index
          %get3A_98 = tpu.vector_load %arg9[%get3A_96, %get3A_97] {strides = array<i32>} : memref<2x6400xi32, #tpu.memory_space<vmem>>, vector<16xi32>,
          %gather3A = tpu.vector_load_idx %arg7[%get3A_94] : memref<100000xi32, #tpu.memory_space<vmem>>[vector<16xi32>], vector<16xi32>,
          %gather3A_99 = tpu.vector_load_idx %arg7[%get3A_98] : memref<100000xi32, #tpu.memory_space<vmem>>[vector<16xi32>], vector<16xi32>,
          %shift_left3A = arith.constant 4 : i32
          %shift_left3A_100 = vector.broadcast %shift_left3A : i32 to vector<16xi32>
          %shift_left3A_101 = arith.shli %gather3A, %shift_left3A_100 : vector<16xi32>
          %or3A = arith.ori %shift_left3A_101, %gather3A_99 : vector<16xi32>
          %or3A_102 = arith.ori %or3A, %iota3A : vector<16xi32>
          %gather3A_103 = tpu.vector_load_idx %arg8[%or3A_102] : memref<4096xf32, #tpu.memory_space<vmem>>[vector<16xi32>], vector<16xf32>,
          %get3A_104 = arith.index_cast %add3A_91 : i32 to index
          %get3A_105 = tpu.vector_load %arg10[%get3A_104] {strides = array<i32>} : memref<6400xf32, #tpu.memory_space<vmem>>, vector<16xf32>,
          %bitcast3A = vector.bitcast %get3A_105 : vector<16xf32> to vector<16xi32>
          %or3A_106 = arith.constant -2147483648 : i32
          %or3A_107 = vector.broadcast %or3A_106 : i32 to vector<16xi32>
          %or3A_108 = arith.ori %bitcast3A, %or3A_107 : vector<16xi32>
          %bitcast3A_109 = vector.bitcast %or3A_108 : vector<16xi32> to vector<16xf32>
          %exp3A = math.exp %bitcast3A_109 : vector<16xf32>
          %mul3A_110 = arith.constant -0.0548628531 : f32
          %mul3A_111 = vector.broadcast %mul3A_110 : f32 to vector<16xf32>
          %mul3A_112 = arith.mulf %mul3A_111, %exp3A : vector<16xf32>
          %add3A_113 = arith.constant 0.216410443 : f32
          %add3A_114 = vector.broadcast %add3A_113 : f32 to vector<16xf32>
          %add3A_115 = arith.addf %mul3A_112, %add3A_114 : vector<16xf32>
          %mul3A_116 = arith.mulf %add3A_115, %exp3A : vector<16xf32>
          %add3A_117 = arith.constant -0.464072585 : f32
          %add3A_118 = vector.broadcast %add3A_117 : f32 to vector<16xf32>
          %add3A_119 = arith.addf %mul3A_116, %add3A_118 : vector<16xf32>
          %mul3A_120 = arith.mulf %add3A_119, %exp3A : vector<16xf32>
          %add3A_121 = arith.constant 0.99542731 : f32
          %add3A_122 = vector.broadcast %add3A_121 : f32 to vector<16xf32>
          %add3A_123 = arith.addf %mul3A_120, %add3A_122 : vector<16xf32>
          %mul3A_124 = arith.mulf %add3A_123, %exp3A : vector<16xf32>
          %add3A_125 = arith.constant 1.41512181E-4 : f32
          %add3A_126 = vector.broadcast %add3A_125 : f32 to vector<16xf32>
          %add3A_127 = arith.addf %mul3A_124, %add3A_126 : vector<16xf32>
          %max3A = arith.constant 0.000000e+00 : f32
          %max3A_128 = vector.broadcast %max3A : f32 to vector<16xf32>
          %max3A_129 = arith.maximumf %get3A_105, %max3A_128 : vector<16xf32>
          %add3A_130 = arith.addf %max3A_129, %add3A_127 : vector<16xf32>
          %mul3A_131 = arith.mulf %gather3A_103, %get3A_105 : vector<16xf32>
          %sub3A = arith.subf %add3A_130, %mul3A_131 : vector<16xf32>
          %min3A = arith.constant 1.000000e+02 : f32
          %min3A_132 = vector.broadcast %min3A : f32 to vector<16xf32>
          %min3A_133 = arith.minimumf %sub3A, %min3A_132 : vector<16xf32>
          %add3A_134 = arith.addf %scan3A_86, %min3A_133 : vector<16xf32>
          %add3A_135 = arith.constant 16 : i32
          %add3A_136 = arith.addi %add3A_91, %add3A_135 : i32
          %get3A_137 = arith.constant 0 : i32
          %get3A_138 = arith.index_cast %get3A_137 : i32 to index
          %get3A_139 = arith.index_cast %add3A_136 : i32 to index
          %get3A_140 = tpu.vector_load %arg9[%get3A_138, %get3A_139] {strides = array<i32>} : memref<2x6400xi32, #tpu.memory_space<vmem>>, vector<16xi32>,
          %get3A_141 = arith.constant 1 : i32
          %get3A_142 = arith.index_cast %get3A_141 : i32 to index
          %get3A_143 = arith.index_cast %add3A_136 : i32 to index
          %get3A_144 = tpu.vector_load %arg9[%get3A_142, %get3A_143] {strides = array<i32>} : memref<2x6400xi32, #tpu.memory_space<vmem>>, vector<16xi32>,
          %gather3A_145 = tpu.vector_load_idx %arg7[%get3A_140] : memref<100000xi32, #tpu.memory_space<vmem>>[vector<16xi32>], vector<16xi32>,
          %gather3A_146 = tpu.vector_load_idx %arg7[%get3A_144] : memref<100000xi32, #tpu.memory_space<vmem>>[vector<16xi32>], vector<16xi32>,
          %shift_left3A_147 = arith.constant 4 : i32
          %shift_left3A_148 = vector.broadcast %shift_left3A_147 : i32 to vector<16xi32>
          %shift_left3A_149 = arith.shli %gather3A_145, %shift_left3A_148 : vector<16xi32>
          %or3A_150 = arith.ori %shift_left3A_149, %gather3A_146 : vector<16xi32>
          %or3A_151 = arith.ori %or3A_150, %iota3A : vector<16xi32>
          %gather3A_152 = tpu.vector_load_idx %arg8[%or3A_151] : memref<4096xf32, #tpu.memory_space<vmem>>[vector<16xi32>], vector<16xf32>,
          %get3A_153 = arith.index_cast %add3A_136 : i32 to index
          %get3A_154 = tpu.vector_load %arg10[%get3A_153] {strides = array<i32>} : memref<6400xf32, #tpu.memory_space<vmem>>, vector<16xf32>,
          %bitcast3A_155 = vector.bitcast %get3A_154 : vector<16xf32> to vector<16xi32>
          %or3A_156 = arith.constant -2147483648 : i32
          %or3A_157 = vector.broadcast %or3A_156 : i32 to vector<16xi32>
          %or3A_158 = arith.ori %bitcast3A_155, %or3A_157 : vector<16xi32>
          %bitcast3A_159 = vector.bitcast %or3A_158 : vector<16xi32> to vector<16xf32>
          %exp3A_160 = math.exp %bitcast3A_159 : vector<16xf32>
          %mul3A_161 = arith.constant -0.0548628531 : f32
          %mul3A_162 = vector.broadcast %mul3A_161 : f32 to vector<16xf32>
          %mul3A_163 = arith.mulf %mul3A_162, %exp3A_160 : vector<16xf32>
          %add3A_164 = arith.constant 0.216410443 : f32
          %add3A_165 = vector.broadcast %add3A_164 : f32 to vector<16xf32>
          %add3A_166 = arith.addf %mul3A_163, %add3A_165 : vector<16xf32>
          %mul3A_167 = arith.mulf %add3A_166, %exp3A_160 : vector<16xf32>
          %add3A_168 = arith.constant -0.464072585 : f32
          %add3A_169 = vector.broadcast %add3A_168 : f32 to vector<16xf32>
          %add3A_170 = arith.addf %mul3A_167, %add3A_169 : vector<16xf32>
          %mul3A_171 = arith.mulf %add3A_170, %exp3A_160 : vector<16xf32>
          %add3A_172 = arith.constant 0.99542731 : f32
          %add3A_173 = vector.broadcast %add3A_172 : f32 to vector<16xf32>
          %add3A_174 = arith.addf %mul3A_171, %add3A_173 : vector<16xf32>
          %mul3A_175 = arith.mulf %add3A_174, %exp3A_160 : vector<16xf32>
          %add3A_176 = arith.constant 1.41512181E-4 : f32
          %add3A_177 = vector.broadcast %add3A_176 : f32 to vector<16xf32>
          %add3A_178 = arith.addf %mul3A_175, %add3A_177 : vector<16xf32>
          %max3A_179 = arith.constant 0.000000e+00 : f32
          %max3A_180 = vector.broadcast %max3A_179 : f32 to vector<16xf32>
          %max3A_181 = arith.maximumf %get3A_154, %max3A_180 : vector<16xf32>
          %add3A_182 = arith.addf %max3A_181, %add3A_178 : vector<16xf32>
          %mul3A_183 = arith.mulf %gather3A_152, %get3A_154 : vector<16xf32>
          %sub3A_184 = arith.subf %add3A_182, %mul3A_183 : vector<16xf32>
          %min3A_185 = arith.constant 1.000000e+02 : f32
          %min3A_186 = vector.broadcast %min3A_185 : f32 to vector<16xf32>
          %min3A_187 = arith.minimumf %sub3A_184, %min3A_186 : vector<16xf32>
          %add3A_188 = arith.addf %scan3A_87, %min3A_187 : vector<16xf32>
          %scan3A_189 = arith.constant 1 : i32
          %scan3A_190 = arith.addi %scan3A_85, %scan3A_189 : i32
          %mul3A_191 = arith.constant 32 : i32
          %mul3A_192 = arith.muli %scan3A_190, %mul3A_191 : i32
          %add3A_193 = arith.constant 0 : i32
          %add3A_194 = arith.addi %add3A_193, %mul3A_192 : i32
          %get3A_195 = arith.constant 0 : i32
          %get3A_196 = arith.index_cast %get3A_195 : i32 to index
          %get3A_197 = arith.index_cast %add3A_194 : i32 to index
          %get3A_198 = tpu.vector_load %arg9[%get3A_196, %get3A_197] {strides = array<i32>} : memref<2x6400xi32, #tpu.memory_space<vmem>>, vector<16xi32>,
          %get3A_199 = arith.constant 1 : i32
          %get3A_200 = arith.index_cast %get3A_199 : i32 to index
          %get3A_201 = arith.index_cast %add3A_194 : i32 to index
          %get3A_202 = tpu.vector_load %arg9[%get3A_200, %get3A_201] {strides = array<i32>} : memref<2x6400xi32, #tpu.memory_space<vmem>>, vector<16xi32>,
          %gather3A_203 = tpu.vector_load_idx %arg7[%get3A_198] : memref<100000xi32, #tpu.memory_space<vmem>>[vector<16xi32>], vector<16xi32>,
          %gather3A_204 = tpu.vector_load_idx %arg7[%get3A_202] : memref<100000xi32, #tpu.memory_space<vmem>>[vector<16xi32>], vector<16xi32>,
          %shift_left3A_205 = arith.constant 4 : i32
          %shift_left3A_206 = vector.broadcast %shift_left3A_205 : i32 to vector<16xi32>
          %shift_left3A_207 = arith.shli %gather3A_203, %shift_left3A_206 : vector<16xi32>
          %or3A_208 = arith.ori %shift_left3A_207, %gather3A_204 : vector<16xi32>
          %or3A_209 = arith.ori %or3A_208, %iota3A : vector<16xi32>
          %gather3A_210 = tpu.vector_load_idx %arg8[%or3A_209] : memref<4096xf32, #tpu.memory_space<vmem>>[vector<16xi32>], vector<16xf32>,
          %get3A_211 = arith.index_cast %add3A_194 : i32 to index
          %get3A_212 = tpu.vector_load %arg10[%get3A_211] {strides = array<i32>} : memref<6400xf32, #tpu.memory_space<vmem>>, vector<16xf32>,
          %bitcast3A_213 = vector.bitcast %get3A_212 : vector<16xf32> to vector<16xi32>
          %or3A_214 = arith.constant -2147483648 : i32
          %or3A_215 = vector.broadcast %or3A_214 : i32 to vector<16xi32>
          %or3A_216 = arith.ori %bitcast3A_213, %or3A_215 : vector<16xi32>
          %bitcast3A_217 = vector.bitcast %or3A_216 : vector<16xi32> to vector<16xf32>
          %exp3A_218 = math.exp %bitcast3A_217 : vector<16xf32>
          %mul3A_219 = arith.constant -0.0548628531 : f32
          %mul3A_220 = vector.broadcast %mul3A_219 : f32 to vector<16xf32>
          %mul3A_221 = arith.mulf %mul3A_220, %exp3A_218 : vector<16xf32>
          %add3A_222 = arith.constant 0.216410443 : f32
          %add3A_223 = vector.broadcast %add3A_222 : f32 to vector<16xf32>
          %add3A_224 = arith.addf %mul3A_221, %add3A_223 : vector<16xf32>
          %mul3A_225 = arith.mulf %add3A_224, %exp3A_218 : vector<16xf32>
          %add3A_226 = arith.constant -0.464072585 : f32
          %add3A_227 = vector.broadcast %add3A_226 : f32 to vector<16xf32>
          %add3A_228 = arith.addf %mul3A_225, %add3A_227 : vector<16xf32>
          %mul3A_229 = arith.mulf %add3A_228, %exp3A_218 : vector<16xf32>
          %add3A_230 = arith.constant 0.99542731 : f32
          %add3A_231 = vector.broadcast %add3A_230 : f32 to vector<16xf32>
          %add3A_232 = arith.addf %mul3A_229, %add3A_231 : vector<16xf32>
          %mul3A_233 = arith.mulf %add3A_232, %exp3A_218 : vector<16xf32>
          %add3A_234 = arith.constant 1.41512181E-4 : f32
          %add3A_235 = vector.broadcast %add3A_234 : f32 to vector<16xf32>
          %add3A_236 = arith.addf %mul3A_233, %add3A_235 : vector<16xf32>
          %max3A_237 = arith.constant 0.000000e+00 : f32
          %max3A_238 = vector.broadcast %max3A_237 : f32 to vector<16xf32>
          %max3A_239 = arith.maximumf %get3A_212, %max3A_238 : vector<16xf32>
          %add3A_240 = arith.addf %max3A_239, %add3A_236 : vector<16xf32>
          %mul3A_241 = arith.mulf %gather3A_210, %get3A_212 : vector<16xf32>
          %sub3A_242 = arith.subf %add3A_240, %mul3A_241 : vector<16xf32>
          %min3A_243 = arith.constant 1.000000e+02 : f32
          %min3A_244 = vector.broadcast %min3A_243 : f32 to vector<16xf32>
          %min3A_245 = arith.minimumf %sub3A_242, %min3A_244 : vector<16xf32>
          %add3A_246 = arith.addf %add3A_134, %min3A_245 : vector<16xf32>
          %add3A_247 = arith.constant 16 : i32
          %add3A_248 = arith.addi %add3A_194, %add3A_247 : i32
          %get3A_249 = arith.constant 0 : i32
          %get3A_250 = arith.index_cast %get3A_249 : i32 to index
          %get3A_251 = arith.index_cast %add3A_248 : i32 to index
          %get3A_252 = tpu.vector_load %arg9[%get3A_250, %get3A_251] {strides = array<i32>} : memref<2x6400xi32, #tpu.memory_space<vmem>>, vector<16xi32>,
          %get3A_253 = arith.constant 1 : i32
          %get3A_254 = arith.index_cast %get3A_253 : i32 to index
          %get3A_255 = arith.index_cast %add3A_248 : i32 to index
          %get3A_256 = tpu.vector_load %arg9[%get3A_254, %get3A_255] {strides = array<i32>} : memref<2x6400xi32, #tpu.memory_space<vmem>>, vector<16xi32>,
          %gather3A_257 = tpu.vector_load_idx %arg7[%get3A_252] : memref<100000xi32, #tpu.memory_space<vmem>>[vector<16xi32>], vector<16xi32>,
          %gather3A_258 = tpu.vector_load_idx %arg7[%get3A_256] : memref<100000xi32, #tpu.memory_space<vmem>>[vector<16xi32>], vector<16xi32>,
          %shift_left3A_259 = arith.constant 4 : i32
          %shift_left3A_260 = vector.broadcast %shift_left3A_259 : i32 to vector<16xi32>
          %shift_left3A_261 = arith.shli %gather3A_257, %shift_left3A_260 : vector<16xi32>
          %or3A_262 = arith.ori %shift_left3A_261, %gather3A_258 : vector<16xi32>
          %or3A_263 = arith.ori %or3A_262, %iota3A : vector<16xi32>
          %gather3A_264 = tpu.vector_load_idx %arg8[%or3A_263] : memref<4096xf32, #tpu.memory_space<vmem>>[vector<16xi32>], vector<16xf32>,
          %get3A_265 = arith.index_cast %add3A_248 : i32 to index
          %get3A_266 = tpu.vector_load %arg10[%get3A_265] {strides = array<i32>} : memref<6400xf32, #tpu.memory_space<vmem>>, vector<16xf32>,
          %bitcast3A_267 = vector.bitcast %get3A_266 : vector<16xf32> to vector<16xi32>
          %or3A_268 = arith.constant -2147483648 : i32
          %or3A_269 = vector.broadcast %or3A_268 : i32 to vector<16xi32>
          %or3A_270 = arith.ori %bitcast3A_267, %or3A_269 : vector<16xi32>
          %bitcast3A_271 = vector.bitcast %or3A_270 : vector<16xi32> to vector<16xf32>
          %exp3A_272 = math.exp %bitcast3A_271 : vector<16xf32>
          %mul3A_273 = arith.constant -0.0548628531 : f32
          %mul3A_274 = vector.broadcast %mul3A_273 : f32 to vector<16xf32>
          %mul3A_275 = arith.mulf %mul3A_274, %exp3A_272 : vector<16xf32>
          %add3A_276 = arith.constant 0.216410443 : f32
          %add3A_277 = vector.broadcast %add3A_276 : f32 to vector<16xf32>
          %add3A_278 = arith.addf %mul3A_275, %add3A_277 : vector<16xf32>
          %mul3A_279 = arith.mulf %add3A_278, %exp3A_272 : vector<16xf32>
          %add3A_280 = arith.constant -0.464072585 : f32
          %add3A_281 = vector.broadcast %add3A_280 : f32 to vector<16xf32>
          %add3A_282 = arith.addf %mul3A_279, %add3A_281 : vector<16xf32>
          %mul3A_283 = arith.mulf %add3A_282, %exp3A_272 : vector<16xf32>
          %add3A_284 = arith.constant 0.99542731 : f32
          %add3A_285 = vector.broadcast %add3A_284 : f32 to vector<16xf32>
          %add3A_286 = arith.addf %mul3A_283, %add3A_285 : vector<16xf32>
          %mul3A_287 = arith.mulf %add3A_286, %exp3A_272 : vector<16xf32>
          %add3A_288 = arith.constant 1.41512181E-4 : f32
          %add3A_289 = vector.broadcast %add3A_288 : f32 to vector<16xf32>
          %add3A_290 = arith.addf %mul3A_287, %add3A_289 : vector<16xf32>
          %max3A_291 = arith.constant 0.000000e+00 : f32
          %max3A_292 = vector.broadcast %max3A_291 : f32 to vector<16xf32>
          %max3A_293 = arith.maximumf %get3A_266, %max3A_292 : vector<16xf32>
          %add3A_294 = arith.addf %max3A_293, %add3A_290 : vector<16xf32>
          %mul3A_295 = arith.mulf %gather3A_264, %get3A_266 : vector<16xf32>
          %sub3A_296 = arith.subf %add3A_294, %mul3A_295 : vector<16xf32>
          %min3A_297 = arith.constant 1.000000e+02 : f32
          %min3A_298 = vector.broadcast %min3A_297 : f32 to vector<16xf32>
          %min3A_299 = arith.minimumf %sub3A_296, %min3A_298 : vector<16xf32>
          %add3A_300 = arith.addf %add3A_188, %min3A_299 : vector<16xf32>
          %scan3A_301 = arith.constant 2 : i32
          %scan3A_302 = arith.addi %scan3A_85, %scan3A_301 : i32
          %mul3A_303 = arith.constant 32 : i32
          %mul3A_304 = arith.muli %scan3A_302, %mul3A_303 : i32
          %add3A_305 = arith.constant 0 : i32
          %add3A_306 = arith.addi %add3A_305, %mul3A_304 : i32
          %get3A_307 = arith.constant 0 : i32
          %get3A_308 = arith.index_cast %get3A_307 : i32 to index
          %get3A_309 = arith.index_cast %add3A_306 : i32 to index
          %get3A_310 = tpu.vector_load %arg9[%get3A_308, %get3A_309] {strides = array<i32>} : memref<2x6400xi32, #tpu.memory_space<vmem>>, vector<16xi32>,
          %get3A_311 = arith.constant 1 : i32
          %get3A_312 = arith.index_cast %get3A_311 : i32 to index
          %get3A_313 = arith.index_cast %add3A_306 : i32 to index
          %get3A_314 = tpu.vector_load %arg9[%get3A_312, %get3A_313] {strides = array<i32>} : memref<2x6400xi32, #tpu.memory_space<vmem>>, vector<16xi32>,
          %gather3A_315 = tpu.vector_load_idx %arg7[%get3A_310] : memref<100000xi32, #tpu.memory_space<vmem>>[vector<16xi32>], vector<16xi32>,
          %gather3A_316 = tpu.vector_load_idx %arg7[%get3A_314] : memref<100000xi32, #tpu.memory_space<vmem>>[vector<16xi32>], vector<16xi32>,
          %shift_left3A_317 = arith.constant 4 : i32
          %shift_left3A_318 = vector.broadcast %shift_left3A_317 : i32 to vector<16xi32>
          %shift_left3A_319 = arith.shli %gather3A_315, %shift_left3A_318 : vector<16xi32>
          %or3A_320 = arith.ori %shift_left3A_319, %gather3A_316 : vector<16xi32>
          %or3A_321 = arith.ori %or3A_320, %iota3A : vector<16xi32>
          %gather3A_322 = tpu.vector_load_idx %arg8[%or3A_321] : memref<4096xf32, #tpu.memory_space<vmem>>[vector<16xi32>], vector<16xf32>,
          %get3A_323 = arith.index_cast %add3A_306 : i32 to index
          %get3A_324 = tpu.vector_load %arg10[%get3A_323] {strides = array<i32>} : memref<6400xf32, #tpu.memory_space<vmem>>, vector<16xf32>,
          %bitcast3A_325 = vector.bitcast %get3A_324 : vector<16xf32> to vector<16xi32>
          %or3A_326 = arith.constant -2147483648 : i32
          %or3A_327 = vector.broadcast %or3A_326 : i32 to vector<16xi32>
          %or3A_328 = arith.ori %bitcast3A_325, %or3A_327 : vector<16xi32>
          %bitcast3A_329 = vector.bitcast %or3A_328 : vector<16xi32> to vector<16xf32>
          %exp3A_330 = math.exp %bitcast3A_329 : vector<16xf32>
          %mul3A_331 = arith.constant -0.0548628531 : f32
          %mul3A_332 = vector.broadcast %mul3A_331 : f32 to vector<16xf32>
          %mul3A_333 = arith.mulf %mul3A_332, %exp3A_330 : vector<16xf32>
          %add3A_334 = arith.constant 0.216410443 : f32
          %add3A_335 = vector.broadcast %add3A_334 : f32 to vector<16xf32>
          %add3A_336 = arith.addf %mul3A_333, %add3A_335 : vector<16xf32>
          %mul3A_337 = arith.mulf %add3A_336, %exp3A_330 : vector<16xf32>
          %add3A_338 = arith.constant -0.464072585 : f32
          %add3A_339 = vector.broadcast %add3A_338 : f32 to vector<16xf32>
          %add3A_340 = arith.addf %mul3A_337, %add3A_339 : vector<16xf32>
          %mul3A_341 = arith.mulf %add3A_340, %exp3A_330 : vector<16xf32>
          %add3A_342 = arith.constant 0.99542731 : f32
          %add3A_343 = vector.broadcast %add3A_342 : f32 to vector<16xf32>
          %add3A_344 = arith.addf %mul3A_341, %add3A_343 : vector<16xf32>
          %mul3A_345 = arith.mulf %add3A_344, %exp3A_330 : vector<16xf32>
          %add3A_346 = arith.constant 1.41512181E-4 : f32
          %add3A_347 = vector.broadcast %add3A_346 : f32 to vector<16xf32>
          %add3A_348 = arith.addf %mul3A_345, %add3A_347 : vector<16xf32>
          %max3A_349 = arith.constant 0.000000e+00 : f32
          %max3A_350 = vector.broadcast %max3A_349 : f32 to vector<16xf32>
          %max3A_351 = arith.maximumf %get3A_324, %max3A_350 : vector<16xf32>
          %add3A_352 = arith.addf %max3A_351, %add3A_348 : vector<16xf32>
          %mul3A_353 = arith.mulf %gather3A_322, %get3A_324 : vector<16xf32>
          %sub3A_354 = arith.subf %add3A_352, %mul3A_353 : vector<16xf32>
          %min3A_355 = arith.constant 1.000000e+02 : f32
          %min3A_356 = vector.broadcast %min3A_355 : f32 to vector<16xf32>
          %min3A_357 = arith.minimumf %sub3A_354, %min3A_356 : vector<16xf32>
          %add3A_358 = arith.addf %add3A_246, %min3A_357 : vector<16xf32>
          %add3A_359 = arith.constant 16 : i32
          %add3A_360 = arith.addi %add3A_306, %add3A_359 : i32
          %get3A_361 = arith.constant 0 : i32
          %get3A_362 = arith.index_cast %get3A_361 : i32 to index
          %get3A_363 = arith.index_cast %add3A_360 : i32 to index
          %get3A_364 = tpu.vector_load %arg9[%get3A_362, %get3A_363] {strides = array<i32>} : memref<2x6400xi32, #tpu.memory_space<vmem>>, vector<16xi32>,
          %get3A_365 = arith.constant 1 : i32
          %get3A_366 = arith.index_cast %get3A_365 : i32 to index
          %get3A_367 = arith.index_cast %add3A_360 : i32 to index
          %get3A_368 = tpu.vector_load %arg9[%get3A_366, %get3A_367] {strides = array<i32>} : memref<2x6400xi32, #tpu.memory_space<vmem>>, vector<16xi32>,
          %gather3A_369 = tpu.vector_load_idx %arg7[%get3A_364] : memref<100000xi32, #tpu.memory_space<vmem>>[vector<16xi32>], vector<16xi32>,
          %gather3A_370 = tpu.vector_load_idx %arg7[%get3A_368] : memref<100000xi32, #tpu.memory_space<vmem>>[vector<16xi32>], vector<16xi32>,
          %shift_left3A_371 = arith.constant 4 : i32
          %shift_left3A_372 = vector.broadcast %shift_left3A_371 : i32 to vector<16xi32>
          %shift_left3A_373 = arith.shli %gather3A_369, %shift_left3A_372 : vector<16xi32>
          %or3A_374 = arith.ori %shift_left3A_373, %gather3A_370 : vector<16xi32>
          %or3A_375 = arith.ori %or3A_374, %iota3A : vector<16xi32>
          %gather3A_376 = tpu.vector_load_idx %arg8[%or3A_375] : memref<4096xf32, #tpu.memory_space<vmem>>[vector<16xi32>], vector<16xf32>,
          %get3A_377 = arith.index_cast %add3A_360 : i32 to index
          %get3A_378 = tpu.vector_load %arg10[%get3A_377] {strides = array<i32>} : memref<6400xf32, #tpu.memory_space<vmem>>, vector<16xf32>,
          %bitcast3A_379 = vector.bitcast %get3A_378 : vector<16xf32> to vector<16xi32>
          %or3A_380 = arith.constant -2147483648 : i32
          %or3A_381 = vector.broadcast %or3A_380 : i32 to vector<16xi32>
          %or3A_382 = arith.ori %bitcast3A_379, %or3A_381 : vector<16xi32>
          %bitcast3A_383 = vector.bitcast %or3A_382 : vector<16xi32> to vector<16xf32>
          %exp3A_384 = math.exp %bitcast3A_383 : vector<16xf32>
          %mul3A_385 = arith.constant -0.0548628531 : f32
          %mul3A_386 = vector.broadcast %mul3A_385 : f32 to vector<16xf32>
          %mul3A_387 = arith.mulf %mul3A_386, %exp3A_384 : vector<16xf32>
          %add3A_388 = arith.constant 0.216410443 : f32
          %add3A_389 = vector.broadcast %add3A_388 : f32 to vector<16xf32>
          %add3A_390 = arith.addf %mul3A_387, %add3A_389 : vector<16xf32>
          %mul3A_391 = arith.mulf %add3A_390, %exp3A_384 : vector<16xf32>
          %add3A_392 = arith.constant -0.464072585 : f32
          %add3A_393 = vector.broadcast %add3A_392 : f32 to vector<16xf32>
          %add3A_394 = arith.addf %mul3A_391, %add3A_393 : vector<16xf32>
          %mul3A_395 = arith.mulf %add3A_394, %exp3A_384 : vector<16xf32>
          %add3A_396 = arith.constant 0.99542731 : f32
          %add3A_397 = vector.broadcast %add3A_396 : f32 to vector<16xf32>
          %add3A_398 = arith.addf %mul3A_395, %add3A_397 : vector<16xf32>
          %mul3A_399 = arith.mulf %add3A_398, %exp3A_384 : vector<16xf32>
          %add3A_400 = arith.constant 1.41512181E-4 : f32
          %add3A_401 = vector.broadcast %add3A_400 : f32 to vector<16xf32>
          %add3A_402 = arith.addf %mul3A_399, %add3A_401 : vector<16xf32>
          %max3A_403 = arith.constant 0.000000e+00 : f32
          %max3A_404 = vector.broadcast %max3A_403 : f32 to vector<16xf32>
          %max3A_405 = arith.maximumf %get3A_378, %max3A_404 : vector<16xf32>
          %add3A_406 = arith.addf %max3A_405, %add3A_402 : vector<16xf32>
          %mul3A_407 = arith.mulf %gather3A_376, %get3A_378 : vector<16xf32>
          %sub3A_408 = arith.subf %add3A_406, %mul3A_407 : vector<16xf32>
          %min3A_409 = arith.constant 1.000000e+02 : f32
          %min3A_410 = vector.broadcast %min3A_409 : f32 to vector<16xf32>
          %min3A_411 = arith.minimumf %sub3A_408, %min3A_410 : vector<16xf32>
          %add3A_412 = arith.addf %add3A_300, %min3A_411 : vector<16xf32>
          %scan3A_413 = arith.constant 3 : i32
          %scan3A_414 = arith.addi %scan3A_85, %scan3A_413 : i32
          %mul3A_415 = arith.constant 32 : i32
          %mul3A_416 = arith.muli %scan3A_414, %mul3A_415 : i32
          %add3A_417 = arith.constant 0 : i32
          %add3A_418 = arith.addi %add3A_417, %mul3A_416 : i32
          %get3A_419 = arith.constant 0 : i32
          %get3A_420 = arith.index_cast %get3A_419 : i32 to index
          %get3A_421 = arith.index_cast %add3A_418 : i32 to index
          %get3A_422 = tpu.vector_load %arg9[%get3A_420, %get3A_421] {strides = array<i32>} : memref<2x6400xi32, #tpu.memory_space<vmem>>, vector<16xi32>,
          %get3A_423 = arith.constant 1 : i32
          %get3A_424 = arith.index_cast %get3A_423 : i32 to index
          %get3A_425 = arith.index_cast %add3A_418 : i32 to index
          %get3A_426 = tpu.vector_load %arg9[%get3A_424, %get3A_425] {strides = array<i32>} : memref<2x6400xi32, #tpu.memory_space<vmem>>, vector<16xi32>,
          %gather3A_427 = tpu.vector_load_idx %arg7[%get3A_422] : memref<100000xi32, #tpu.memory_space<vmem>>[vector<16xi32>], vector<16xi32>,
          %gather3A_428 = tpu.vector_load_idx %arg7[%get3A_426] : memref<100000xi32, #tpu.memory_space<vmem>>[vector<16xi32>], vector<16xi32>,
          %shift_left3A_429 = arith.constant 4 : i32
          %shift_left3A_430 = vector.broadcast %shift_left3A_429 : i32 to vector<16xi32>
          %shift_left3A_431 = arith.shli %gather3A_427, %shift_left3A_430 : vector<16xi32>
          %or3A_432 = arith.ori %shift_left3A_431, %gather3A_428 : vector<16xi32>
          %or3A_433 = arith.ori %or3A_432, %iota3A : vector<16xi32>
          %gather3A_434 = tpu.vector_load_idx %arg8[%or3A_433] : memref<4096xf32, #tpu.memory_space<vmem>>[vector<16xi32>], vector<16xf32>,
          %get3A_435 = arith.index_cast %add3A_418 : i32 to index
          %get3A_436 = tpu.vector_load %arg10[%get3A_435] {strides = array<i32>} : memref<6400xf32, #tpu.memory_space<vmem>>, vector<16xf32>,
          %bitcast3A_437 = vector.bitcast %get3A_436 : vector<16xf32> to vector<16xi32>
          %or3A_438 = arith.constant -2147483648 : i32
          %or3A_439 = vector.broadcast %or3A_438 : i32 to vector<16xi32>
          %or3A_440 = arith.ori %bitcast3A_437, %or3A_439 : vector<16xi32>
          %bitcast3A_441 = vector.bitcast %or3A_440 : vector<16xi32> to vector<16xf32>
          %exp3A_442 = math.exp %bitcast3A_441 : vector<16xf32>
          %mul3A_443 = arith.constant -0.0548628531 : f32
          %mul3A_444 = vector.broadcast %mul3A_443 : f32 to vector<16xf32>
          %mul3A_445 = arith.mulf %mul3A_444, %exp3A_442 : vector<16xf32>
          %add3A_446 = arith.constant 0.216410443 : f32
          %add3A_447 = vector.broadcast %add3A_446 : f32 to vector<16xf32>
          %add3A_448 = arith.addf %mul3A_445, %add3A_447 : vector<16xf32>
          %mul3A_449 = arith.mulf %add3A_448, %exp3A_442 : vector<16xf32>
          %add3A_450 = arith.constant -0.464072585 : f32
          %add3A_451 = vector.broadcast %add3A_450 : f32 to vector<16xf32>
          %add3A_452 = arith.addf %mul3A_449, %add3A_451 : vector<16xf32>
          %mul3A_453 = arith.mulf %add3A_452, %exp3A_442 : vector<16xf32>
          %add3A_454 = arith.constant 0.99542731 : f32
          %add3A_455 = vector.broadcast %add3A_454 : f32 to vector<16xf32>
          %add3A_456 = arith.addf %mul3A_453, %add3A_455 : vector<16xf32>
          %mul3A_457 = arith.mulf %add3A_456, %exp3A_442 : vector<16xf32>
          %add3A_458 = arith.constant 1.41512181E-4 : f32
          %add3A_459 = vector.broadcast %add3A_458 : f32 to vector<16xf32>
          %add3A_460 = arith.addf %mul3A_457, %add3A_459 : vector<16xf32>
          %max3A_461 = arith.constant 0.000000e+00 : f32
          %max3A_462 = vector.broadcast %max3A_461 : f32 to vector<16xf32>
          %max3A_463 = arith.maximumf %get3A_436, %max3A_462 : vector<16xf32>
          %add3A_464 = arith.addf %max3A_463, %add3A_460 : vector<16xf32>
          %mul3A_465 = arith.mulf %gather3A_434, %get3A_436 : vector<16xf32>
          %sub3A_466 = arith.subf %add3A_464, %mul3A_465 : vector<16xf32>
          %min3A_467 = arith.constant 1.000000e+02 : f32
          %min3A_468 = vector.broadcast %min3A_467 : f32 to vector<16xf32>
          %min3A_469 = arith.minimumf %sub3A_466, %min3A_468 : vector<16xf32>
          %add3A_470 = arith.addf %add3A_358, %min3A_469 : vector<16xf32>
          %add3A_471 = arith.constant 16 : i32
          %add3A_472 = arith.addi %add3A_418, %add3A_471 : i32
          %get3A_473 = arith.constant 0 : i32
          %get3A_474 = arith.index_cast %get3A_473 : i32 to index
          %get3A_475 = arith.index_cast %add3A_472 : i32 to index
          %get3A_476 = tpu.vector_load %arg9[%get3A_474, %get3A_475] {strides = array<i32>} : memref<2x6400xi32, #tpu.memory_space<vmem>>, vector<16xi32>,
          %get3A_477 = arith.constant 1 : i32
          %get3A_478 = arith.index_cast %get3A_477 : i32 to index
          %get3A_479 = arith.index_cast %add3A_472 : i32 to index
          %get3A_480 = tpu.vector_load %arg9[%get3A_478, %get3A_479] {strides = array<i32>} : memref<2x6400xi32, #tpu.memory_space<vmem>>, vector<16xi32>,
          %gather3A_481 = tpu.vector_load_idx %arg7[%get3A_476] : memref<100000xi32, #tpu.memory_space<vmem>>[vector<16xi32>], vector<16xi32>,
          %gather3A_482 = tpu.vector_load_idx %arg7[%get3A_480] : memref<100000xi32, #tpu.memory_space<vmem>>[vector<16xi32>], vector<16xi32>,
          %shift_left3A_483 = arith.constant 4 : i32
          %shift_left3A_484 = vector.broadcast %shift_left3A_483 : i32 to vector<16xi32>
          %shift_left3A_485 = arith.shli %gather3A_481, %shift_left3A_484 : vector<16xi32>
          %or3A_486 = arith.ori %shift_left3A_485, %gather3A_482 : vector<16xi32>
          %or3A_487 = arith.ori %or3A_486, %iota3A : vector<16xi32>
          %gather3A_488 = tpu.vector_load_idx %arg8[%or3A_487] : memref<4096xf32, #tpu.memory_space<vmem>>[vector<16xi32>], vector<16xf32>,
          %get3A_489 = arith.index_cast %add3A_472 : i32 to index
          %get3A_490 = tpu.vector_load %arg10[%get3A_489] {strides = array<i32>} : memref<6400xf32, #tpu.memory_space<vmem>>, vector<16xf32>,
          %bitcast3A_491 = vector.bitcast %get3A_490 : vector<16xf32> to vector<16xi32>
          %or3A_492 = arith.constant -2147483648 : i32
          %or3A_493 = vector.broadcast %or3A_492 : i32 to vector<16xi32>
          %or3A_494 = arith.ori %bitcast3A_491, %or3A_493 : vector<16xi32>
          %bitcast3A_495 = vector.bitcast %or3A_494 : vector<16xi32> to vector<16xf32>
          %exp3A_496 = math.exp %bitcast3A_495 : vector<16xf32>
          %mul3A_497 = arith.constant -0.0548628531 : f32
          %mul3A_498 = vector.broadcast %mul3A_497 : f32 to vector<16xf32>
          %mul3A_499 = arith.mulf %mul3A_498, %exp3A_496 : vector<16xf32>
          %add3A_500 = arith.constant 0.216410443 : f32
          %add3A_501 = vector.broadcast %add3A_500 : f32 to vector<16xf32>
          %add3A_502 = arith.addf %mul3A_499, %add3A_501 : vector<16xf32>
          %mul3A_503 = arith.mulf %add3A_502, %exp3A_496 : vector<16xf32>
          %add3A_504 = arith.constant -0.464072585 : f32
          %add3A_505 = vector.broadcast %add3A_504 : f32 to vector<16xf32>
          %add3A_506 = arith.addf %mul3A_503, %add3A_505 : vector<16xf32>
          %mul3A_507 = arith.mulf %add3A_506, %exp3A_496 : vector<16xf32>
          %add3A_508 = arith.constant 0.99542731 : f32
          %add3A_509 = vector.broadcast %add3A_508 : f32 to vector<16xf32>
          %add3A_510 = arith.addf %mul3A_507, %add3A_509 : vector<16xf32>
          %mul3A_511 = arith.mulf %add3A_510, %exp3A_496 : vector<16xf32>
          %add3A_512 = arith.constant 1.41512181E-4 : f32
          %add3A_513 = vector.broadcast %add3A_512 : f32 to vector<16xf32>
          %add3A_514 = arith.addf %mul3A_511, %add3A_513 : vector<16xf32>
          %max3A_515 = arith.constant 0.000000e+00 : f32
          %max3A_516 = vector.broadcast %max3A_515 : f32 to vector<16xf32>
          %max3A_517 = arith.maximumf %get3A_490, %max3A_516 : vector<16xf32>
          %add3A_518 = arith.addf %max3A_517, %add3A_514 : vector<16xf32>
          %mul3A_519 = arith.mulf %gather3A_488, %get3A_490 : vector<16xf32>
          %sub3A_520 = arith.subf %add3A_518, %mul3A_519 : vector<16xf32>
          %min3A_521 = arith.constant 1.000000e+02 : f32
          %min3A_522 = vector.broadcast %min3A_521 : f32 to vector<16xf32>
          %min3A_523 = arith.minimumf %sub3A_520, %min3A_522 : vector<16xf32>
          %add3A_524 = arith.addf %add3A_412, %min3A_523 : vector<16xf32>
          scf.yield %add3A_470, %add3A_524 : vector<16xf32>, vector<16xf32>
        }
        %scan3A_84 = arith.constant 100 : i32
        scf.yield %scan3A_83#0, %scan3A_83#1 : vector<16xf32>, vector<16xf32>
      } else {
        scf.yield %scan3A_16, %scan3A_17 : vector<16xf32>, vector<16xf32>
      }
      %add3A_47 = arith.constant 2 : i32
      %add3A_48 = arith.addi %mul3A_19, %add3A_47 : i32
      %mul3A_49 = arith.constant 32 : i32
      %mul3A_50 = arith.muli %add3A_48, %mul3A_49 : i32
      %add3A_51 = arith.addi %add3A, %mul3A_50 : i32
      %lt3A_52 = arith.constant 2000 : i32
      %lt3A_53 = arith.cmpi slt, %add3A_51, %lt3A_52 : i32
      %convert_element_type3A_54 = arith.extui %lt3A_53 : i1 to i32
      %cond3A_55 = arith.constant 0 : i32
      %cond3A_56 = arith.cmpi ne, %convert_element_type3A_54, %cond3A_55 : i32
      scf.if %cond3A_56 {
        %mul3A_79 = arith.constant 3200 : i32
        %mul3A_80 = arith.muli %add3A_51, %mul3A_79 : i32
        %dma_start3A = arith.constant 0 : i32
        %dma_start3A_81 = arith.constant 0 : i32
        %dma_start3A_82 = tpu.memref_slice %arg9[%dma_start3A, %dma_start3A_81] : memref<2x6400xi32, #tpu.memory_space<vmem>> -> memref<2x3200xi32, #tpu.memory_space<vmem>>
        %dma_start3A_83 = arith.constant 0 : i32
        %dma_start3A_84 = tpu.memref_slice %arg4[%dma_start3A_83, %mul3A_80] : memref<2x6400000xi32, #tpu.memory_space<hbm>> -> memref<2x3200xi32, #tpu.memory_space<hbm>>
        %dma_start3A_85 = arith.constant 0 : i32
        %dma_start3A_86 = arith.constant 0 : i32
        %dma_start3A_87 = tpu.memref_slice %arg9[%dma_start3A_85, %dma_start3A_86] : memref<2x6400xi32, #tpu.memory_space<vmem>> -> memref<2x3200xi32, #tpu.memory_space<vmem>>
        %dma_start3A_88 = arith.constant 0 : i32
        %dma_start3A_89 = tpu.memref_slice %arg4[%dma_start3A_88, %mul3A_80] : memref<2x6400000xi32, #tpu.memory_space<hbm>> -> memref<2x3200xi32, #tpu.memory_space<hbm>>
        tpu.enqueue_dma source(%dma_start3A_89 : memref<2x3200xi32, #tpu.memory_space<hbm>>) target(%dma_start3A_87 : memref<2x3200xi32, #tpu.memory_space<vmem>>) target_semaphore(%arg11 : memref<!tpu.dma_semaphore, #tpu.memory_space<semaphore_mem>>)
        %dma_start3A_90 = arith.constant 0 : i32
        %dma_start3A_91 = tpu.memref_slice %arg10[%dma_start3A_90] : memref<6400xf32, #tpu.memory_space<vmem>> -> memref<3200xf32, #tpu.memory_space<vmem>>
        %dma_start3A_92 = tpu.memref_slice %arg3[%mul3A_80] : memref<6400000xf32, #tpu.memory_space<hbm>> -> memref<3200xf32, #tpu.memory_space<hbm>>
        %dma_start3A_93 = arith.constant 0 : i32
        %dma_start3A_94 = tpu.memref_slice %arg10[%dma_start3A_93] : memref<6400xf32, #tpu.memory_space<vmem>> -> memref<3200xf32, #tpu.memory_space<vmem>>
        %dma_start3A_95 = tpu.memref_slice %arg3[%mul3A_80] : memref<6400000xf32, #tpu.memory_space<hbm>> -> memref<3200xf32, #tpu.memory_space<hbm>>
        tpu.enqueue_dma source(%dma_start3A_95 : memref<3200xf32, #tpu.memory_space<hbm>>) target(%dma_start3A_94 : memref<3200xf32, #tpu.memory_space<vmem>>) target_semaphore(%arg11 : memref<!tpu.dma_semaphore, #tpu.memory_space<semaphore_mem>>)
      } else {
      }
      %add3A_57 = arith.constant 1 : i32
      %add3A_58 = arith.addi %mul3A_19, %add3A_57 : i32
      %mul3A_59 = arith.constant 32 : i32
      %mul3A_60 = arith.muli %add3A_58, %mul3A_59 : i32
      %add3A_61 = arith.addi %add3A, %mul3A_60 : i32
      %lt3A_62 = arith.constant 2000 : i32
      %lt3A_63 = arith.cmpi slt, %add3A_61, %lt3A_62 : i32
      %convert_element_type3A_64 = arith.extui %lt3A_63 : i1 to i32
      %cond3A_65 = arith.constant 0 : i32
      %cond3A_66 = arith.cmpi ne, %convert_element_type3A_64, %cond3A_65 : i32
      scf.if %cond3A_66 {
        %mul3A_79 = arith.constant 3200 : i32
        %mul3A_80 = arith.muli %add3A_61, %mul3A_79 : i32
        %dma_wait3A = arith.constant 0 : i32
        %dma_wait3A_81 = arith.constant 3200 : i32
        %dma_wait3A_82 = tpu.memref_slice %arg9[%dma_wait3A, %dma_wait3A_81] : memref<2x6400xi32, #tpu.memory_space<vmem>> -> memref<2x3200xi32, #tpu.memory_space<vmem>>
        %dma_wait3A_83 = arith.constant 0 : i32
        %dma_wait3A_84 = tpu.memref_slice %arg4[%dma_wait3A_83, %mul3A_80] : memref<2x6400000xi32, #tpu.memory_space<hbm>> -> memref<2x3200xi32, #tpu.memory_space<hbm>>
        %dma_wait3A_85 = arith.constant 0 : i32
        %dma_wait3A_86 = arith.constant 3200 : i32
        %dma_wait3A_87 = tpu.memref_slice %arg9[%dma_wait3A_85, %dma_wait3A_86] : memref<2x6400xi32, #tpu.memory_space<vmem>> -> memref<2x3200xi32, #tpu.memory_space<vmem>>
        %dma_wait3A_88 = arith.constant 0 : i32
        %dma_wait3A_89 = tpu.memref_slice %arg4[%dma_wait3A_88, %mul3A_80] : memref<2x6400000xi32, #tpu.memory_space<hbm>> -> memref<2x3200xi32, #tpu.memory_space<hbm>>
        tpu.wait_dma2 semaphore(%arg12 : memref<!tpu.dma_semaphore, #tpu.memory_space<semaphore_mem>>) src(%dma_wait3A_89 : memref<2x3200xi32, #tpu.memory_space<hbm>>) dst(%dma_wait3A_87 : memref<2x3200xi32, #tpu.memory_space<vmem>>)
        %dma_wait3A_90 = arith.constant 3200 : i32
        %dma_wait3A_91 = tpu.memref_slice %arg10[%dma_wait3A_90] : memref<6400xf32, #tpu.memory_space<vmem>> -> memref<3200xf32, #tpu.memory_space<vmem>>
        %dma_wait3A_92 = tpu.memref_slice %arg3[%mul3A_80] : memref<6400000xf32, #tpu.memory_space<hbm>> -> memref<3200xf32, #tpu.memory_space<hbm>>
        %dma_wait3A_93 = arith.constant 3200 : i32
        %dma_wait3A_94 = tpu.memref_slice %arg10[%dma_wait3A_93] : memref<6400xf32, #tpu.memory_space<vmem>> -> memref<3200xf32, #tpu.memory_space<vmem>>
        %dma_wait3A_95 = tpu.memref_slice %arg3[%mul3A_80] : memref<6400000xf32, #tpu.memory_space<hbm>> -> memref<3200xf32, #tpu.memory_space<hbm>>
        tpu.wait_dma2 semaphore(%arg12 : memref<!tpu.dma_semaphore, #tpu.memory_space<semaphore_mem>>) src(%dma_wait3A_95 : memref<3200xf32, #tpu.memory_space<hbm>>) dst(%dma_wait3A_94 : memref<3200xf32, #tpu.memory_space<vmem>>)
      } else {
      }
      %add3A_67 = arith.constant 1 : i32
      %add3A_68 = arith.addi %mul3A_19, %add3A_67 : i32
      %iota3A_69 = tpu.iota {dimensions = array<i32: 0>} : vector<16xi32>
      %mul3A_70 = arith.constant 32 : i32
      %mul3A_71 = arith.muli %add3A_68, %mul3A_70 : i32
      %add3A_72 = arith.addi %add3A, %mul3A_71 : i32
      %lt3A_73 = arith.constant 2000 : i32
      %lt3A_74 = arith.cmpi slt, %add3A_72, %lt3A_73 : i32
      %convert_element_type3A_75 = arith.extui %lt3A_74 : i1 to i32
      %cond3A_76 = arith.constant 0 : i32
      %cond3A_77 = arith.cmpi ne, %convert_element_type3A_75, %cond3A_76 : i32
      %cond3A_78:2 = scf.if %cond3A_77 -> (vector<16xf32>, vector<16xf32>) {
        %scan3A_79 = arith.constant 0 : i32
        %scan3A_80 = arith.constant 100 : i32
        %scan3A_81 = arith.addi %scan3A_79, %scan3A_80 : i32
        %scan3A_82 = arith.constant 4 : i32
        %scan3A_83:2 = scf.for %scan3A_85 = %scan3A_79 to %scan3A_81 step %scan3A_82 iter_args(%scan3A_86 = %cond3A_46#0, %scan3A_87 = %cond3A_46#1) -> (vector<16xf32>, vector<16xf32>)  : i32 {
          %mul3A_88 = arith.constant 32 : i32
          %mul3A_89 = arith.muli %scan3A_85, %mul3A_88 : i32
          %add3A_90 = arith.constant 3200 : i32
          %add3A_91 = arith.addi %add3A_90, %mul3A_89 : i32
          %get3A = arith.constant 0 : i32
          %get3A_92 = arith.index_cast %get3A : i32 to index
          %get3A_93 = arith.index_cast %add3A_91 : i32 to index
          %get3A_94 = tpu.vector_load %arg9[%get3A_92, %get3A_93] {strides = array<i32>} : memref<2x6400xi32, #tpu.memory_space<vmem>>, vector<16xi32>,
          %get3A_95 = arith.constant 1 : i32
          %get3A_96 = arith.index_cast %get3A_95 : i32 to index
          %get3A_97 = arith.index_cast %add3A_91 : i32 to index
          %get3A_98 = tpu.vector_load %arg9[%get3A_96, %get3A_97] {strides = array<i32>} : memref<2x6400xi32, #tpu.memory_space<vmem>>, vector<16xi32>,
          %gather3A = tpu.vector_load_idx %arg7[%get3A_94] : memref<100000xi32, #tpu.memory_space<vmem>>[vector<16xi32>], vector<16xi32>,
          %gather3A_99 = tpu.vector_load_idx %arg7[%get3A_98] : memref<100000xi32, #tpu.memory_space<vmem>>[vector<16xi32>], vector<16xi32>,
          %shift_left3A = arith.constant 4 : i32
          %shift_left3A_100 = vector.broadcast %shift_left3A : i32 to vector<16xi32>
          %shift_left3A_101 = arith.shli %gather3A, %shift_left3A_100 : vector<16xi32>
          %or3A = arith.ori %shift_left3A_101, %gather3A_99 : vector<16xi32>
          %or3A_102 = arith.ori %or3A, %iota3A_69 : vector<16xi32>
          %gather3A_103 = tpu.vector_load_idx %arg8[%or3A_102] : memref<4096xf32, #tpu.memory_space<vmem>>[vector<16xi32>], vector<16xf32>,
          %get3A_104 = arith.index_cast %add3A_91 : i32 to index
          %get3A_105 = tpu.vector_load %arg10[%get3A_104] {strides = array<i32>} : memref<6400xf32, #tpu.memory_space<vmem>>, vector<16xf32>,
          %bitcast3A = vector.bitcast %get3A_105 : vector<16xf32> to vector<16xi32>
          %or3A_106 = arith.constant -2147483648 : i32
          %or3A_107 = vector.broadcast %or3A_106 : i32 to vector<16xi32>
          %or3A_108 = arith.ori %bitcast3A, %or3A_107 : vector<16xi32>
          %bitcast3A_109 = vector.bitcast %or3A_108 : vector<16xi32> to vector<16xf32>
          %exp3A = math.exp %bitcast3A_109 : vector<16xf32>
          %mul3A_110 = arith.constant -0.0548628531 : f32
          %mul3A_111 = vector.broadcast %mul3A_110 : f32 to vector<16xf32>
          %mul3A_112 = arith.mulf %mul3A_111, %exp3A : vector<16xf32>
          %add3A_113 = arith.constant 0.216410443 : f32
          %add3A_114 = vector.broadcast %add3A_113 : f32 to vector<16xf32>
          %add3A_115 = arith.addf %mul3A_112, %add3A_114 : vector<16xf32>
          %mul3A_116 = arith.mulf %add3A_115, %exp3A : vector<16xf32>
          %add3A_117 = arith.constant -0.464072585 : f32
          %add3A_118 = vector.broadcast %add3A_117 : f32 to vector<16xf32>
          %add3A_119 = arith.addf %mul3A_116, %add3A_118 : vector<16xf32>
          %mul3A_120 = arith.mulf %add3A_119, %exp3A : vector<16xf32>
          %add3A_121 = arith.constant 0.99542731 : f32
          %add3A_122 = vector.broadcast %add3A_121 : f32 to vector<16xf32>
          %add3A_123 = arith.addf %mul3A_120, %add3A_122 : vector<16xf32>
          %mul3A_124 = arith.mulf %add3A_123, %exp3A : vector<16xf32>
          %add3A_125 = arith.constant 1.41512181E-4 : f32
          %add3A_126 = vector.broadcast %add3A_125 : f32 to vector<16xf32>
          %add3A_127 = arith.addf %mul3A_124, %add3A_126 : vector<16xf32>
          %max3A = arith.constant 0.000000e+00 : f32
          %max3A_128 = vector.broadcast %max3A : f32 to vector<16xf32>
          %max3A_129 = arith.maximumf %get3A_105, %max3A_128 : vector<16xf32>
          %add3A_130 = arith.addf %max3A_129, %add3A_127 : vector<16xf32>
          %mul3A_131 = arith.mulf %gather3A_103, %get3A_105 : vector<16xf32>
          %sub3A = arith.subf %add3A_130, %mul3A_131 : vector<16xf32>
          %min3A = arith.constant 1.000000e+02 : f32
          %min3A_132 = vector.broadcast %min3A : f32 to vector<16xf32>
          %min3A_133 = arith.minimumf %sub3A, %min3A_132 : vector<16xf32>
          %add3A_134 = arith.addf %scan3A_86, %min3A_133 : vector<16xf32>
          %add3A_135 = arith.constant 16 : i32
          %add3A_136 = arith.addi %add3A_91, %add3A_135 : i32
          %get3A_137 = arith.constant 0 : i32
          %get3A_138 = arith.index_cast %get3A_137 : i32 to index
          %get3A_139 = arith.index_cast %add3A_136 : i32 to index
          %get3A_140 = tpu.vector_load %arg9[%get3A_138, %get3A_139] {strides = array<i32>} : memref<2x6400xi32, #tpu.memory_space<vmem>>, vector<16xi32>,
          %get3A_141 = arith.constant 1 : i32
          %get3A_142 = arith.index_cast %get3A_141 : i32 to index
          %get3A_143 = arith.index_cast %add3A_136 : i32 to index
          %get3A_144 = tpu.vector_load %arg9[%get3A_142, %get3A_143] {strides = array<i32>} : memref<2x6400xi32, #tpu.memory_space<vmem>>, vector<16xi32>,
          %gather3A_145 = tpu.vector_load_idx %arg7[%get3A_140] : memref<100000xi32, #tpu.memory_space<vmem>>[vector<16xi32>], vector<16xi32>,
          %gather3A_146 = tpu.vector_load_idx %arg7[%get3A_144] : memref<100000xi32, #tpu.memory_space<vmem>>[vector<16xi32>], vector<16xi32>,
          %shift_left3A_147 = arith.constant 4 : i32
          %shift_left3A_148 = vector.broadcast %shift_left3A_147 : i32 to vector<16xi32>
          %shift_left3A_149 = arith.shli %gather3A_145, %shift_left3A_148 : vector<16xi32>
          %or3A_150 = arith.ori %shift_left3A_149, %gather3A_146 : vector<16xi32>
          %or3A_151 = arith.ori %or3A_150, %iota3A_69 : vector<16xi32>
          %gather3A_152 = tpu.vector_load_idx %arg8[%or3A_151] : memref<4096xf32, #tpu.memory_space<vmem>>[vector<16xi32>], vector<16xf32>,
          %get3A_153 = arith.index_cast %add3A_136 : i32 to index
          %get3A_154 = tpu.vector_load %arg10[%get3A_153] {strides = array<i32>} : memref<6400xf32, #tpu.memory_space<vmem>>, vector<16xf32>,
          %bitcast3A_155 = vector.bitcast %get3A_154 : vector<16xf32> to vector<16xi32>
          %or3A_156 = arith.constant -2147483648 : i32
          %or3A_157 = vector.broadcast %or3A_156 : i32 to vector<16xi32>
          %or3A_158 = arith.ori %bitcast3A_155, %or3A_157 : vector<16xi32>
          %bitcast3A_159 = vector.bitcast %or3A_158 : vector<16xi32> to vector<16xf32>
          %exp3A_160 = math.exp %bitcast3A_159 : vector<16xf32>
          %mul3A_161 = arith.constant -0.0548628531 : f32
          %mul3A_162 = vector.broadcast %mul3A_161 : f32 to vector<16xf32>
          %mul3A_163 = arith.mulf %mul3A_162, %exp3A_160 : vector<16xf32>
          %add3A_164 = arith.constant 0.216410443 : f32
          %add3A_165 = vector.broadcast %add3A_164 : f32 to vector<16xf32>
          %add3A_166 = arith.addf %mul3A_163, %add3A_165 : vector<16xf32>
          %mul3A_167 = arith.mulf %add3A_166, %exp3A_160 : vector<16xf32>
          %add3A_168 = arith.constant -0.464072585 : f32
          %add3A_169 = vector.broadcast %add3A_168 : f32 to vector<16xf32>
          %add3A_170 = arith.addf %mul3A_167, %add3A_169 : vector<16xf32>
          %mul3A_171 = arith.mulf %add3A_170, %exp3A_160 : vector<16xf32>
          %add3A_172 = arith.constant 0.99542731 : f32
          %add3A_173 = vector.broadcast %add3A_172 : f32 to vector<16xf32>
          %add3A_174 = arith.addf %mul3A_171, %add3A_173 : vector<16xf32>
          %mul3A_175 = arith.mulf %add3A_174, %exp3A_160 : vector<16xf32>
          %add3A_176 = arith.constant 1.41512181E-4 : f32
          %add3A_177 = vector.broadcast %add3A_176 : f32 to vector<16xf32>
          %add3A_178 = arith.addf %mul3A_175, %add3A_177 : vector<16xf32>
          %max3A_179 = arith.constant 0.000000e+00 : f32
          %max3A_180 = vector.broadcast %max3A_179 : f32 to vector<16xf32>
          %max3A_181 = arith.maximumf %get3A_154, %max3A_180 : vector<16xf32>
          %add3A_182 = arith.addf %max3A_181, %add3A_178 : vector<16xf32>
          %mul3A_183 = arith.mulf %gather3A_152, %get3A_154 : vector<16xf32>
          %sub3A_184 = arith.subf %add3A_182, %mul3A_183 : vector<16xf32>
          %min3A_185 = arith.constant 1.000000e+02 : f32
          %min3A_186 = vector.broadcast %min3A_185 : f32 to vector<16xf32>
          %min3A_187 = arith.minimumf %sub3A_184, %min3A_186 : vector<16xf32>
          %add3A_188 = arith.addf %scan3A_87, %min3A_187 : vector<16xf32>
          %scan3A_189 = arith.constant 1 : i32
          %scan3A_190 = arith.addi %scan3A_85, %scan3A_189 : i32
          %mul3A_191 = arith.constant 32 : i32
          %mul3A_192 = arith.muli %scan3A_190, %mul3A_191 : i32
          %add3A_193 = arith.constant 3200 : i32
          %add3A_194 = arith.addi %add3A_193, %mul3A_192 : i32
          %get3A_195 = arith.constant 0 : i32
          %get3A_196 = arith.index_cast %get3A_195 : i32 to index
          %get3A_197 = arith.index_cast %add3A_194 : i32 to index
          %get3A_198 = tpu.vector_load %arg9[%get3A_196, %get3A_197] {strides = array<i32>} : memref<2x6400xi32, #tpu.memory_space<vmem>>, vector<16xi32>,
          %get3A_199 = arith.constant 1 : i32
          %get3A_200 = arith.index_cast %get3A_199 : i32 to index
          %get3A_201 = arith.index_cast %add3A_194 : i32 to index
          %get3A_202 = tpu.vector_load %arg9[%get3A_200, %get3A_201] {strides = array<i32>} : memref<2x6400xi32, #tpu.memory_space<vmem>>, vector<16xi32>,
          %gather3A_203 = tpu.vector_load_idx %arg7[%get3A_198] : memref<100000xi32, #tpu.memory_space<vmem>>[vector<16xi32>], vector<16xi32>,
          %gather3A_204 = tpu.vector_load_idx %arg7[%get3A_202] : memref<100000xi32, #tpu.memory_space<vmem>>[vector<16xi32>], vector<16xi32>,
          %shift_left3A_205 = arith.constant 4 : i32
          %shift_left3A_206 = vector.broadcast %shift_left3A_205 : i32 to vector<16xi32>
          %shift_left3A_207 = arith.shli %gather3A_203, %shift_left3A_206 : vector<16xi32>
          %or3A_208 = arith.ori %shift_left3A_207, %gather3A_204 : vector<16xi32>
          %or3A_209 = arith.ori %or3A_208, %iota3A_69 : vector<16xi32>
          %gather3A_210 = tpu.vector_load_idx %arg8[%or3A_209] : memref<4096xf32, #tpu.memory_space<vmem>>[vector<16xi32>], vector<16xf32>,
          %get3A_211 = arith.index_cast %add3A_194 : i32 to index
          %get3A_212 = tpu.vector_load %arg10[%get3A_211] {strides = array<i32>} : memref<6400xf32, #tpu.memory_space<vmem>>, vector<16xf32>,
          %bitcast3A_213 = vector.bitcast %get3A_212 : vector<16xf32> to vector<16xi32>
          %or3A_214 = arith.constant -2147483648 : i32
          %or3A_215 = vector.broadcast %or3A_214 : i32 to vector<16xi32>
          %or3A_216 = arith.ori %bitcast3A_213, %or3A_215 : vector<16xi32>
          %bitcast3A_217 = vector.bitcast %or3A_216 : vector<16xi32> to vector<16xf32>
          %exp3A_218 = math.exp %bitcast3A_217 : vector<16xf32>
          %mul3A_219 = arith.constant -0.0548628531 : f32
          %mul3A_220 = vector.broadcast %mul3A_219 : f32 to vector<16xf32>
          %mul3A_221 = arith.mulf %mul3A_220, %exp3A_218 : vector<16xf32>
          %add3A_222 = arith.constant 0.216410443 : f32
          %add3A_223 = vector.broadcast %add3A_222 : f32 to vector<16xf32>
          %add3A_224 = arith.addf %mul3A_221, %add3A_223 : vector<16xf32>
          %mul3A_225 = arith.mulf %add3A_224, %exp3A_218 : vector<16xf32>
          %add3A_226 = arith.constant -0.464072585 : f32
          %add3A_227 = vector.broadcast %add3A_226 : f32 to vector<16xf32>
          %add3A_228 = arith.addf %mul3A_225, %add3A_227 : vector<16xf32>
          %mul3A_229 = arith.mulf %add3A_228, %exp3A_218 : vector<16xf32>
          %add3A_230 = arith.constant 0.99542731 : f32
          %add3A_231 = vector.broadcast %add3A_230 : f32 to vector<16xf32>
          %add3A_232 = arith.addf %mul3A_229, %add3A_231 : vector<16xf32>
          %mul3A_233 = arith.mulf %add3A_232, %exp3A_218 : vector<16xf32>
          %add3A_234 = arith.constant 1.41512181E-4 : f32
          %add3A_235 = vector.broadcast %add3A_234 : f32 to vector<16xf32>
          %add3A_236 = arith.addf %mul3A_233, %add3A_235 : vector<16xf32>
          %max3A_237 = arith.constant 0.000000e+00 : f32
          %max3A_238 = vector.broadcast %max3A_237 : f32 to vector<16xf32>
          %max3A_239 = arith.maximumf %get3A_212, %max3A_238 : vector<16xf32>
          %add3A_240 = arith.addf %max3A_239, %add3A_236 : vector<16xf32>
          %mul3A_241 = arith.mulf %gather3A_210, %get3A_212 : vector<16xf32>
          %sub3A_242 = arith.subf %add3A_240, %mul3A_241 : vector<16xf32>
          %min3A_243 = arith.constant 1.000000e+02 : f32
          %min3A_244 = vector.broadcast %min3A_243 : f32 to vector<16xf32>
          %min3A_245 = arith.minimumf %sub3A_242, %min3A_244 : vector<16xf32>
          %add3A_246 = arith.addf %add3A_134, %min3A_245 : vector<16xf32>
          %add3A_247 = arith.constant 16 : i32
          %add3A_248 = arith.addi %add3A_194, %add3A_247 : i32
          %get3A_249 = arith.constant 0 : i32
          %get3A_250 = arith.index_cast %get3A_249 : i32 to index
          %get3A_251 = arith.index_cast %add3A_248 : i32 to index
          %get3A_252 = tpu.vector_load %arg9[%get3A_250, %get3A_251] {strides = array<i32>} : memref<2x6400xi32, #tpu.memory_space<vmem>>, vector<16xi32>,
          %get3A_253 = arith.constant 1 : i32
          %get3A_254 = arith.index_cast %get3A_253 : i32 to index
          %get3A_255 = arith.index_cast %add3A_248 : i32 to index
          %get3A_256 = tpu.vector_load %arg9[%get3A_254, %get3A_255] {strides = array<i32>} : memref<2x6400xi32, #tpu.memory_space<vmem>>, vector<16xi32>,
          %gather3A_257 = tpu.vector_load_idx %arg7[%get3A_252] : memref<100000xi32, #tpu.memory_space<vmem>>[vector<16xi32>], vector<16xi32>,
          %gather3A_258 = tpu.vector_load_idx %arg7[%get3A_256] : memref<100000xi32, #tpu.memory_space<vmem>>[vector<16xi32>], vector<16xi32>,
          %shift_left3A_259 = arith.constant 4 : i32
          %shift_left3A_260 = vector.broadcast %shift_left3A_259 : i32 to vector<16xi32>
          %shift_left3A_261 = arith.shli %gather3A_257, %shift_left3A_260 : vector<16xi32>
          %or3A_262 = arith.ori %shift_left3A_261, %gather3A_258 : vector<16xi32>
          %or3A_263 = arith.ori %or3A_262, %iota3A_69 : vector<16xi32>
          %gather3A_264 = tpu.vector_load_idx %arg8[%or3A_263] : memref<4096xf32, #tpu.memory_space<vmem>>[vector<16xi32>], vector<16xf32>,
          %get3A_265 = arith.index_cast %add3A_248 : i32 to index
          %get3A_266 = tpu.vector_load %arg10[%get3A_265] {strides = array<i32>} : memref<6400xf32, #tpu.memory_space<vmem>>, vector<16xf32>,
          %bitcast3A_267 = vector.bitcast %get3A_266 : vector<16xf32> to vector<16xi32>
          %or3A_268 = arith.constant -2147483648 : i32
          %or3A_269 = vector.broadcast %or3A_268 : i32 to vector<16xi32>
          %or3A_270 = arith.ori %bitcast3A_267, %or3A_269 : vector<16xi32>
          %bitcast3A_271 = vector.bitcast %or3A_270 : vector<16xi32> to vector<16xf32>
          %exp3A_272 = math.exp %bitcast3A_271 : vector<16xf32>
          %mul3A_273 = arith.constant -0.0548628531 : f32
          %mul3A_274 = vector.broadcast %mul3A_273 : f32 to vector<16xf32>
          %mul3A_275 = arith.mulf %mul3A_274, %exp3A_272 : vector<16xf32>
          %add3A_276 = arith.constant 0.216410443 : f32
          %add3A_277 = vector.broadcast %add3A_276 : f32 to vector<16xf32>
          %add3A_278 = arith.addf %mul3A_275, %add3A_277 : vector<16xf32>
          %mul3A_279 = arith.mulf %add3A_278, %exp3A_272 : vector<16xf32>
          %add3A_280 = arith.constant -0.464072585 : f32
          %add3A_281 = vector.broadcast %add3A_280 : f32 to vector<16xf32>
          %add3A_282 = arith.addf %mul3A_279, %add3A_281 : vector<16xf32>
          %mul3A_283 = arith.mulf %add3A_282, %exp3A_272 : vector<16xf32>
          %add3A_284 = arith.constant 0.99542731 : f32
          %add3A_285 = vector.broadcast %add3A_284 : f32 to vector<16xf32>
          %add3A_286 = arith.addf %mul3A_283, %add3A_285 : vector<16xf32>
          %mul3A_287 = arith.mulf %add3A_286, %exp3A_272 : vector<16xf32>
          %add3A_288 = arith.constant 1.41512181E-4 : f32
          %add3A_289 = vector.broadcast %add3A_288 : f32 to vector<16xf32>
          %add3A_290 = arith.addf %mul3A_287, %add3A_289 : vector<16xf32>
          %max3A_291 = arith.constant 0.000000e+00 : f32
          %max3A_292 = vector.broadcast %max3A_291 : f32 to vector<16xf32>
          %max3A_293 = arith.maximumf %get3A_266, %max3A_292 : vector<16xf32>
          %add3A_294 = arith.addf %max3A_293, %add3A_290 : vector<16xf32>
          %mul3A_295 = arith.mulf %gather3A_264, %get3A_266 : vector<16xf32>
          %sub3A_296 = arith.subf %add3A_294, %mul3A_295 : vector<16xf32>
          %min3A_297 = arith.constant 1.000000e+02 : f32
          %min3A_298 = vector.broadcast %min3A_297 : f32 to vector<16xf32>
          %min3A_299 = arith.minimumf %sub3A_296, %min3A_298 : vector<16xf32>
          %add3A_300 = arith.addf %add3A_188, %min3A_299 : vector<16xf32>
          %scan3A_301 = arith.constant 2 : i32
          %scan3A_302 = arith.addi %scan3A_85, %scan3A_301 : i32
          %mul3A_303 = arith.constant 32 : i32
          %mul3A_304 = arith.muli %scan3A_302, %mul3A_303 : i32
          %add3A_305 = arith.constant 3200 : i32
          %add3A_306 = arith.addi %add3A_305, %mul3A_304 : i32
          %get3A_307 = arith.constant 0 : i32
          %get3A_308 = arith.index_cast %get3A_307 : i32 to index
          %get3A_309 = arith.index_cast %add3A_306 : i32 to index
          %get3A_310 = tpu.vector_load %arg9[%get3A_308, %get3A_309] {strides = array<i32>} : memref<2x6400xi32, #tpu.memory_space<vmem>>, vector<16xi32>,
          %get3A_311 = arith.constant 1 : i32
          %get3A_312 = arith.index_cast %get3A_311 : i32 to index
          %get3A_313 = arith.index_cast %add3A_306 : i32 to index
          %get3A_314 = tpu.vector_load %arg9[%get3A_312, %get3A_313] {strides = array<i32>} : memref<2x6400xi32, #tpu.memory_space<vmem>>, vector<16xi32>,
          %gather3A_315 = tpu.vector_load_idx %arg7[%get3A_310] : memref<100000xi32, #tpu.memory_space<vmem>>[vector<16xi32>], vector<16xi32>,
          %gather3A_316 = tpu.vector_load_idx %arg7[%get3A_314] : memref<100000xi32, #tpu.memory_space<vmem>>[vector<16xi32>], vector<16xi32>,
          %shift_left3A_317 = arith.constant 4 : i32
          %shift_left3A_318 = vector.broadcast %shift_left3A_317 : i32 to vector<16xi32>
          %shift_left3A_319 = arith.shli %gather3A_315, %shift_left3A_318 : vector<16xi32>
          %or3A_320 = arith.ori %shift_left3A_319, %gather3A_316 : vector<16xi32>
          %or3A_321 = arith.ori %or3A_320, %iota3A_69 : vector<16xi32>
          %gather3A_322 = tpu.vector_load_idx %arg8[%or3A_321] : memref<4096xf32, #tpu.memory_space<vmem>>[vector<16xi32>], vector<16xf32>,
          %get3A_323 = arith.index_cast %add3A_306 : i32 to index
          %get3A_324 = tpu.vector_load %arg10[%get3A_323] {strides = array<i32>} : memref<6400xf32, #tpu.memory_space<vmem>>, vector<16xf32>,
          %bitcast3A_325 = vector.bitcast %get3A_324 : vector<16xf32> to vector<16xi32>
          %or3A_326 = arith.constant -2147483648 : i32
          %or3A_327 = vector.broadcast %or3A_326 : i32 to vector<16xi32>
          %or3A_328 = arith.ori %bitcast3A_325, %or3A_327 : vector<16xi32>
          %bitcast3A_329 = vector.bitcast %or3A_328 : vector<16xi32> to vector<16xf32>
          %exp3A_330 = math.exp %bitcast3A_329 : vector<16xf32>
          %mul3A_331 = arith.constant -0.0548628531 : f32
          %mul3A_332 = vector.broadcast %mul3A_331 : f32 to vector<16xf32>
          %mul3A_333 = arith.mulf %mul3A_332, %exp3A_330 : vector<16xf32>
          %add3A_334 = arith.constant 0.216410443 : f32
          %add3A_335 = vector.broadcast %add3A_334 : f32 to vector<16xf32>
          %add3A_336 = arith.addf %mul3A_333, %add3A_335 : vector<16xf32>
          %mul3A_337 = arith.mulf %add3A_336, %exp3A_330 : vector<16xf32>
          %add3A_338 = arith.constant -0.464072585 : f32
          %add3A_339 = vector.broadcast %add3A_338 : f32 to vector<16xf32>
          %add3A_340 = arith.addf %mul3A_337, %add3A_339 : vector<16xf32>
          %mul3A_341 = arith.mulf %add3A_340, %exp3A_330 : vector<16xf32>
          %add3A_342 = arith.constant 0.99542731 : f32
          %add3A_343 = vector.broadcast %add3A_342 : f32 to vector<16xf32>
          %add3A_344 = arith.addf %mul3A_341, %add3A_343 : vector<16xf32>
          %mul3A_345 = arith.mulf %add3A_344, %exp3A_330 : vector<16xf32>
          %add3A_346 = arith.constant 1.41512181E-4 : f32
          %add3A_347 = vector.broadcast %add3A_346 : f32 to vector<16xf32>
          %add3A_348 = arith.addf %mul3A_345, %add3A_347 : vector<16xf32>
          %max3A_349 = arith.constant 0.000000e+00 : f32
          %max3A_350 = vector.broadcast %max3A_349 : f32 to vector<16xf32>
          %max3A_351 = arith.maximumf %get3A_324, %max3A_350 : vector<16xf32>
          %add3A_352 = arith.addf %max3A_351, %add3A_348 : vector<16xf32>
          %mul3A_353 = arith.mulf %gather3A_322, %get3A_324 : vector<16xf32>
          %sub3A_354 = arith.subf %add3A_352, %mul3A_353 : vector<16xf32>
          %min3A_355 = arith.constant 1.000000e+02 : f32
          %min3A_356 = vector.broadcast %min3A_355 : f32 to vector<16xf32>
          %min3A_357 = arith.minimumf %sub3A_354, %min3A_356 : vector<16xf32>
          %add3A_358 = arith.addf %add3A_246, %min3A_357 : vector<16xf32>
          %add3A_359 = arith.constant 16 : i32
          %add3A_360 = arith.addi %add3A_306, %add3A_359 : i32
          %get3A_361 = arith.constant 0 : i32
          %get3A_362 = arith.index_cast %get3A_361 : i32 to index
          %get3A_363 = arith.index_cast %add3A_360 : i32 to index
          %get3A_364 = tpu.vector_load %arg9[%get3A_362, %get3A_363] {strides = array<i32>} : memref<2x6400xi32, #tpu.memory_space<vmem>>, vector<16xi32>,
          %get3A_365 = arith.constant 1 : i32
          %get3A_366 = arith.index_cast %get3A_365 : i32 to index
          %get3A_367 = arith.index_cast %add3A_360 : i32 to index
          %get3A_368 = tpu.vector_load %arg9[%get3A_366, %get3A_367] {strides = array<i32>} : memref<2x6400xi32, #tpu.memory_space<vmem>>, vector<16xi32>,
          %gather3A_369 = tpu.vector_load_idx %arg7[%get3A_364] : memref<100000xi32, #tpu.memory_space<vmem>>[vector<16xi32>], vector<16xi32>,
          %gather3A_370 = tpu.vector_load_idx %arg7[%get3A_368] : memref<100000xi32, #tpu.memory_space<vmem>>[vector<16xi32>], vector<16xi32>,
          %shift_left3A_371 = arith.constant 4 : i32
          %shift_left3A_372 = vector.broadcast %shift_left3A_371 : i32 to vector<16xi32>
          %shift_left3A_373 = arith.shli %gather3A_369, %shift_left3A_372 : vector<16xi32>
          %or3A_374 = arith.ori %shift_left3A_373, %gather3A_370 : vector<16xi32>
          %or3A_375 = arith.ori %or3A_374, %iota3A_69 : vector<16xi32>
          %gather3A_376 = tpu.vector_load_idx %arg8[%or3A_375] : memref<4096xf32, #tpu.memory_space<vmem>>[vector<16xi32>], vector<16xf32>,
          %get3A_377 = arith.index_cast %add3A_360 : i32 to index
          %get3A_378 = tpu.vector_load %arg10[%get3A_377] {strides = array<i32>} : memref<6400xf32, #tpu.memory_space<vmem>>, vector<16xf32>,
          %bitcast3A_379 = vector.bitcast %get3A_378 : vector<16xf32> to vector<16xi32>
          %or3A_380 = arith.constant -2147483648 : i32
          %or3A_381 = vector.broadcast %or3A_380 : i32 to vector<16xi32>
          %or3A_382 = arith.ori %bitcast3A_379, %or3A_381 : vector<16xi32>
          %bitcast3A_383 = vector.bitcast %or3A_382 : vector<16xi32> to vector<16xf32>
          %exp3A_384 = math.exp %bitcast3A_383 : vector<16xf32>
          %mul3A_385 = arith.constant -0.0548628531 : f32
          %mul3A_386 = vector.broadcast %mul3A_385 : f32 to vector<16xf32>
          %mul3A_387 = arith.mulf %mul3A_386, %exp3A_384 : vector<16xf32>
          %add3A_388 = arith.constant 0.216410443 : f32
          %add3A_389 = vector.broadcast %add3A_388 : f32 to vector<16xf32>
          %add3A_390 = arith.addf %mul3A_387, %add3A_389 : vector<16xf32>
          %mul3A_391 = arith.mulf %add3A_390, %exp3A_384 : vector<16xf32>
          %add3A_392 = arith.constant -0.464072585 : f32
          %add3A_393 = vector.broadcast %add3A_392 : f32 to vector<16xf32>
          %add3A_394 = arith.addf %mul3A_391, %add3A_393 : vector<16xf32>
          %mul3A_395 = arith.mulf %add3A_394, %exp3A_384 : vector<16xf32>
          %add3A_396 = arith.constant 0.99542731 : f32
          %add3A_397 = vector.broadcast %add3A_396 : f32 to vector<16xf32>
          %add3A_398 = arith.addf %mul3A_395, %add3A_397 : vector<16xf32>
          %mul3A_399 = arith.mulf %add3A_398, %exp3A_384 : vector<16xf32>
          %add3A_400 = arith.constant 1.41512181E-4 : f32
          %add3A_401 = vector.broadcast %add3A_400 : f32 to vector<16xf32>
          %add3A_402 = arith.addf %mul3A_399, %add3A_401 : vector<16xf32>
          %max3A_403 = arith.constant 0.000000e+00 : f32
          %max3A_404 = vector.broadcast %max3A_403 : f32 to vector<16xf32>
          %max3A_405 = arith.maximumf %get3A_378, %max3A_404 : vector<16xf32>
          %add3A_406 = arith.addf %max3A_405, %add3A_402 : vector<16xf32>
          %mul3A_407 = arith.mulf %gather3A_376, %get3A_378 : vector<16xf32>
          %sub3A_408 = arith.subf %add3A_406, %mul3A_407 : vector<16xf32>
          %min3A_409 = arith.constant 1.000000e+02 : f32
          %min3A_410 = vector.broadcast %min3A_409 : f32 to vector<16xf32>
          %min3A_411 = arith.minimumf %sub3A_408, %min3A_410 : vector<16xf32>
          %add3A_412 = arith.addf %add3A_300, %min3A_411 : vector<16xf32>
          %scan3A_413 = arith.constant 3 : i32
          %scan3A_414 = arith.addi %scan3A_85, %scan3A_413 : i32
          %mul3A_415 = arith.constant 32 : i32
          %mul3A_416 = arith.muli %scan3A_414, %mul3A_415 : i32
          %add3A_417 = arith.constant 3200 : i32
          %add3A_418 = arith.addi %add3A_417, %mul3A_416 : i32
          %get3A_419 = arith.constant 0 : i32
          %get3A_420 = arith.index_cast %get3A_419 : i32 to index
          %get3A_421 = arith.index_cast %add3A_418 : i32 to index
          %get3A_422 = tpu.vector_load %arg9[%get3A_420, %get3A_421] {strides = array<i32>} : memref<2x6400xi32, #tpu.memory_space<vmem>>, vector<16xi32>,
          %get3A_423 = arith.constant 1 : i32
          %get3A_424 = arith.index_cast %get3A_423 : i32 to index
          %get3A_425 = arith.index_cast %add3A_418 : i32 to index
          %get3A_426 = tpu.vector_load %arg9[%get3A_424, %get3A_425] {strides = array<i32>} : memref<2x6400xi32, #tpu.memory_space<vmem>>, vector<16xi32>,
          %gather3A_427 = tpu.vector_load_idx %arg7[%get3A_422] : memref<100000xi32, #tpu.memory_space<vmem>>[vector<16xi32>], vector<16xi32>,
          %gather3A_428 = tpu.vector_load_idx %arg7[%get3A_426] : memref<100000xi32, #tpu.memory_space<vmem>>[vector<16xi32>], vector<16xi32>,
          %shift_left3A_429 = arith.constant 4 : i32
          %shift_left3A_430 = vector.broadcast %shift_left3A_429 : i32 to vector<16xi32>
          %shift_left3A_431 = arith.shli %gather3A_427, %shift_left3A_430 : vector<16xi32>
          %or3A_432 = arith.ori %shift_left3A_431, %gather3A_428 : vector<16xi32>
          %or3A_433 = arith.ori %or3A_432, %iota3A_69 : vector<16xi32>
          %gather3A_434 = tpu.vector_load_idx %arg8[%or3A_433] : memref<4096xf32, #tpu.memory_space<vmem>>[vector<16xi32>], vector<16xf32>,
          %get3A_435 = arith.index_cast %add3A_418 : i32 to index
          %get3A_436 = tpu.vector_load %arg10[%get3A_435] {strides = array<i32>} : memref<6400xf32, #tpu.memory_space<vmem>>, vector<16xf32>,
          %bitcast3A_437 = vector.bitcast %get3A_436 : vector<16xf32> to vector<16xi32>
          %or3A_438 = arith.constant -2147483648 : i32
          %or3A_439 = vector.broadcast %or3A_438 : i32 to vector<16xi32>
          %or3A_440 = arith.ori %bitcast3A_437, %or3A_439 : vector<16xi32>
          %bitcast3A_441 = vector.bitcast %or3A_440 : vector<16xi32> to vector<16xf32>
          %exp3A_442 = math.exp %bitcast3A_441 : vector<16xf32>
          %mul3A_443 = arith.constant -0.0548628531 : f32
          %mul3A_444 = vector.broadcast %mul3A_443 : f32 to vector<16xf32>
          %mul3A_445 = arith.mulf %mul3A_444, %exp3A_442 : vector<16xf32>
          %add3A_446 = arith.constant 0.216410443 : f32
          %add3A_447 = vector.broadcast %add3A_446 : f32 to vector<16xf32>
          %add3A_448 = arith.addf %mul3A_445, %add3A_447 : vector<16xf32>
          %mul3A_449 = arith.mulf %add3A_448, %exp3A_442 : vector<16xf32>
          %add3A_450 = arith.constant -0.464072585 : f32
          %add3A_451 = vector.broadcast %add3A_450 : f32 to vector<16xf32>
          %add3A_452 = arith.addf %mul3A_449, %add3A_451 : vector<16xf32>
          %mul3A_453 = arith.mulf %add3A_452, %exp3A_442 : vector<16xf32>
          %add3A_454 = arith.constant 0.99542731 : f32
          %add3A_455 = vector.broadcast %add3A_454 : f32 to vector<16xf32>
          %add3A_456 = arith.addf %mul3A_453, %add3A_455 : vector<16xf32>
          %mul3A_457 = arith.mulf %add3A_456, %exp3A_442 : vector<16xf32>
          %add3A_458 = arith.constant 1.41512181E-4 : f32
          %add3A_459 = vector.broadcast %add3A_458 : f32 to vector<16xf32>
          %add3A_460 = arith.addf %mul3A_457, %add3A_459 : vector<16xf32>
          %max3A_461 = arith.constant 0.000000e+00 : f32
          %max3A_462 = vector.broadcast %max3A_461 : f32 to vector<16xf32>
          %max3A_463 = arith.maximumf %get3A_436, %max3A_462 : vector<16xf32>
          %add3A_464 = arith.addf %max3A_463, %add3A_460 : vector<16xf32>
          %mul3A_465 = arith.mulf %gather3A_434, %get3A_436 : vector<16xf32>
          %sub3A_466 = arith.subf %add3A_464, %mul3A_465 : vector<16xf32>
          %min3A_467 = arith.constant 1.000000e+02 : f32
          %min3A_468 = vector.broadcast %min3A_467 : f32 to vector<16xf32>
          %min3A_469 = arith.minimumf %sub3A_466, %min3A_468 : vector<16xf32>
          %add3A_470 = arith.addf %add3A_358, %min3A_469 : vector<16xf32>
          %add3A_471 = arith.constant 16 : i32
          %add3A_472 = arith.addi %add3A_418, %add3A_471 : i32
          %get3A_473 = arith.constant 0 : i32
          %get3A_474 = arith.index_cast %get3A_473 : i32 to index
          %get3A_475 = arith.index_cast %add3A_472 : i32 to index
          %get3A_476 = tpu.vector_load %arg9[%get3A_474, %get3A_475] {strides = array<i32>} : memref<2x6400xi32, #tpu.memory_space<vmem>>, vector<16xi32>,
          %get3A_477 = arith.constant 1 : i32
          %get3A_478 = arith.index_cast %get3A_477 : i32 to index
          %get3A_479 = arith.index_cast %add3A_472 : i32 to index
          %get3A_480 = tpu.vector_load %arg9[%get3A_478, %get3A_479] {strides = array<i32>} : memref<2x6400xi32, #tpu.memory_space<vmem>>, vector<16xi32>,
          %gather3A_481 = tpu.vector_load_idx %arg7[%get3A_476] : memref<100000xi32, #tpu.memory_space<vmem>>[vector<16xi32>], vector<16xi32>,
          %gather3A_482 = tpu.vector_load_idx %arg7[%get3A_480] : memref<100000xi32, #tpu.memory_space<vmem>>[vector<16xi32>], vector<16xi32>,
          %shift_left3A_483 = arith.constant 4 : i32
          %shift_left3A_484 = vector.broadcast %shift_left3A_483 : i32 to vector<16xi32>
          %shift_left3A_485 = arith.shli %gather3A_481, %shift_left3A_484 : vector<16xi32>
          %or3A_486 = arith.ori %shift_left3A_485, %gather3A_482 : vector<16xi32>
          %or3A_487 = arith.ori %or3A_486, %iota3A_69 : vector<16xi32>
          %gather3A_488 = tpu.vector_load_idx %arg8[%or3A_487] : memref<4096xf32, #tpu.memory_space<vmem>>[vector<16xi32>], vector<16xf32>,
          %get3A_489 = arith.index_cast %add3A_472 : i32 to index
          %get3A_490 = tpu.vector_load %arg10[%get3A_489] {strides = array<i32>} : memref<6400xf32, #tpu.memory_space<vmem>>, vector<16xf32>,
          %bitcast3A_491 = vector.bitcast %get3A_490 : vector<16xf32> to vector<16xi32>
          %or3A_492 = arith.constant -2147483648 : i32
          %or3A_493 = vector.broadcast %or3A_492 : i32 to vector<16xi32>
          %or3A_494 = arith.ori %bitcast3A_491, %or3A_493 : vector<16xi32>
          %bitcast3A_495 = vector.bitcast %or3A_494 : vector<16xi32> to vector<16xf32>
          %exp3A_496 = math.exp %bitcast3A_495 : vector<16xf32>
          %mul3A_497 = arith.constant -0.0548628531 : f32
          %mul3A_498 = vector.broadcast %mul3A_497 : f32 to vector<16xf32>
          %mul3A_499 = arith.mulf %mul3A_498, %exp3A_496 : vector<16xf32>
          %add3A_500 = arith.constant 0.216410443 : f32
          %add3A_501 = vector.broadcast %add3A_500 : f32 to vector<16xf32>
          %add3A_502 = arith.addf %mul3A_499, %add3A_501 : vector<16xf32>
          %mul3A_503 = arith.mulf %add3A_502, %exp3A_496 : vector<16xf32>
          %add3A_504 = arith.constant -0.464072585 : f32
          %add3A_505 = vector.broadcast %add3A_504 : f32 to vector<16xf32>
          %add3A_506 = arith.addf %mul3A_503, %add3A_505 : vector<16xf32>
          %mul3A_507 = arith.mulf %add3A_506, %exp3A_496 : vector<16xf32>
          %add3A_508 = arith.constant 0.99542731 : f32
          %add3A_509 = vector.broadcast %add3A_508 : f32 to vector<16xf32>
          %add3A_510 = arith.addf %mul3A_507, %add3A_509 : vector<16xf32>
          %mul3A_511 = arith.mulf %add3A_510, %exp3A_496 : vector<16xf32>
          %add3A_512 = arith.constant 1.41512181E-4 : f32
          %add3A_513 = vector.broadcast %add3A_512 : f32 to vector<16xf32>
          %add3A_514 = arith.addf %mul3A_511, %add3A_513 : vector<16xf32>
          %max3A_515 = arith.constant 0.000000e+00 : f32
          %max3A_516 = vector.broadcast %max3A_515 : f32 to vector<16xf32>
          %max3A_517 = arith.maximumf %get3A_490, %max3A_516 : vector<16xf32>
          %add3A_518 = arith.addf %max3A_517, %add3A_514 : vector<16xf32>
          %mul3A_519 = arith.mulf %gather3A_488, %get3A_490 : vector<16xf32>
          %sub3A_520 = arith.subf %add3A_518, %mul3A_519 : vector<16xf32>
          %min3A_521 = arith.constant 1.000000e+02 : f32
          %min3A_522 = vector.broadcast %min3A_521 : f32 to vector<16xf32>
          %min3A_523 = arith.minimumf %sub3A_520, %min3A_522 : vector<16xf32>
          %add3A_524 = arith.addf %add3A_412, %min3A_523 : vector<16xf32>
          scf.yield %add3A_470, %add3A_524 : vector<16xf32>, vector<16xf32>
        }
        %scan3A_84 = arith.constant 100 : i32
        scf.yield %scan3A_83#0, %scan3A_83#1 : vector<16xf32>, vector<16xf32>
      } else {
        scf.yield %cond3A_46#0, %cond3A_46#1 : vector<16xf32>, vector<16xf32>
      }
      scf.yield %cond3A_78#0, %cond3A_78#1 : vector<16xf32>, vector<16xf32>
    }
    %scan3A_10 = arith.constant 32 : i32
    %add3A_11 = arith.addf %scan3A_9#0, %scan3A_9#1 : vector<16xf32>
    %swap3A = arith.constant 0 : index
    %swap3A_12 = tpu.vector_load %arg10[%swap3A] {strides = array<i32>} : memref<6400xf32, #tpu.memory_space<vmem>>, vector<16xf32>,
    tpu.vector_store %arg10[%swap3A], %add3A_11 {strides = array<i32>} : memref<6400xf32, #tpu.memory_space<vmem>>, vector<16xf32>,
    %mul3A_13 = arith.constant 16 : i32
    %mul3A_14 = arith.muli %add3A, %mul3A_13 : i32
    "tpu.region"() ({
      %run_scoped3A = tpu.sem_alloc : memref<!tpu.dma_semaphore, #tpu.memory_space<semaphore_mem>>
      %dma_start3A = arith.constant 0 : i32
      %dma_start3A_15 = tpu.memref_slice %arg10[%dma_start3A] : memref<6400xf32, #tpu.memory_space<vmem>> -> memref<16xf32, #tpu.memory_space<vmem>>
      %dma_start3A_16 = tpu.memref_slice %arg6[%mul3A_14] : memref<512xf32, #tpu.memory_space<hbm>> -> memref<16xf32, #tpu.memory_space<hbm>>
      %dma_start3A_17 = tpu.memref_slice %arg6[%mul3A_14] : memref<512xf32, #tpu.memory_space<hbm>> -> memref<16xf32, #tpu.memory_space<hbm>>
      %dma_start3A_18 = arith.constant 0 : i32
      %dma_start3A_19 = tpu.memref_slice %arg10[%dma_start3A_18] : memref<6400xf32, #tpu.memory_space<vmem>> -> memref<16xf32, #tpu.memory_space<vmem>>
      tpu.enqueue_dma source(%dma_start3A_19 : memref<16xf32, #tpu.memory_space<vmem>>) target(%dma_start3A_17 : memref<16xf32, #tpu.memory_space<hbm>>) target_semaphore(%run_scoped3A : memref<!tpu.dma_semaphore, #tpu.memory_space<semaphore_mem>>)
      %dma_wait3A = arith.constant 0 : i32
      %dma_wait3A_20 = tpu.memref_slice %arg10[%dma_wait3A] : memref<6400xf32, #tpu.memory_space<vmem>> -> memref<16xf32, #tpu.memory_space<vmem>>
      %dma_wait3A_21 = tpu.memref_slice %arg6[%mul3A_14] : memref<512xf32, #tpu.memory_space<hbm>> -> memref<16xf32, #tpu.memory_space<hbm>>
      %dma_wait3A_22 = tpu.memref_slice %arg6[%mul3A_14] : memref<512xf32, #tpu.memory_space<hbm>> -> memref<16xf32, #tpu.memory_space<hbm>>
      %dma_wait3A_23 = arith.constant 0 : i32
      %dma_wait3A_24 = tpu.memref_slice %arg10[%dma_wait3A_23] : memref<6400xf32, #tpu.memory_space<vmem>> -> memref<16xf32, #tpu.memory_space<vmem>>
      tpu.wait_dma2 semaphore(%run_scoped3A : memref<!tpu.dma_semaphore, #tpu.memory_space<semaphore_mem>>) src(%dma_wait3A_24 : memref<16xf32, #tpu.memory_space<vmem>>) dst(%dma_wait3A_22 : memref<16xf32, #tpu.memory_space<hbm>>)
      tpu.yield
    }) : () -> ()
    return
  }
}

</mosaic_0001>

<sc_bundles>
// kernel: kernel.3.cloned.1.call-start
scs
__scs_entry_jumppad:
0x0: {  	(pc) =	sbr.rel $0x88, $3  }
0x1: {  	(tag) =	ssettag $0x0;
	lr =	simm.s32 $0x1  }
0x2: {  	[smem:$0x3F9D] =	sst lr;
	_ =	strace $0xD0000000  }
0x3: {  	_ = 	snop  }
0x4: {  	_ = 	snop  }
0x5: {  	_ = 	snop  }
0x6: {  	_ = 	snop  }
0x7: {  	_ = 	snop  }
__scs_overlays_trampoline_lowered:
0x8: {  	[smem:$0x3FAC] =	sst s0  }
0x9: {  	[smem:$0x3FAD] =	sst s1  }
0xa: {  	[smem:$0x3FAE] =	sst s2  }
0xb: {  	[smem:$0x3FAF] =	sst s3  }
0xc: {  	[smem:$0x3FB0] =	sst s4  }
0xd: {  	[smem:$0x3FB1] =	sst s5  }
0xe: {  	[smem:$0x3FB2] =	sst s6  }
0xf: {  	[smem:$0x3FB3] =	sst s7  }
0x10: {  	[smem:$0x3FB4] =	sst s8  }
0x11: {  	[smem:$0x3FB5] =	sst s9;
	s0 =	simm.s32 @!p0 $0x0  }
0x12: {  	s1 =	sld [smem:$0x3F9B];
	s0 =	simm.s32 @p0 $0x1  }
0x13: {  	[smem:$0x3FB6] =	sst s0;
	s0 =	simm.s32 @!p1 $0x0  }
0x14: {  	s2 =	sld [smem:$0x3F9A];
	s0 =	simm.s32 @p1 $0x1  }
0x15: {  	[smem:$0x3FB7] =	sst s0;
	s0 =	simm.s32 @!p2 $0x0  }
0x16: {  	s3 =	sld [smem:$0x3FDB];
	s0 =	simm.s32 @p2 $0x1  }
0x17: {  	s4 =	simm.s32 $0x1BF5;
	[smem:$0x3FB9] =	sst s0  }
0x18: {  	s0 =	sld [smem:$0x3F9C];
	_ =	swait.ge [sflag:s4], $0x0  }
0x19: {  	s7 =	sld [smem:$0x3F9D]  }
0x1a: {  	s8 =	sadd.s32 $0xFFFFE003, lr  }
0x1b: {  	s9 =	sadd.s32 $0xFFFFFEF7, lr;
	s5 =	simm.s32 $0xFFFFFFFF;
	p2 =	slt.u32 s8, $0xFFFFF086  }
0x1c: {  	p1 =	slt.u32 s9, $0xF7A;
	s5 =	simm.s32 @!p2 $0x0  }
0x1d: {  	s5 =	simm.s32 @p1 $0x1;
	p0 =	seq.s32 s7, s2  }
0x1e: {  	s7 =	smul.u32 @!p0 $0xF7A, s2;
	p2 =	seq.s32 @!p0 s5, $0x0  }
0x1f: {  	s9 =	smul.u32 $0xF7A, s1;
	s8 =	simm.s32 @!p0 $0x1BF5;
	p2 =	por !p2, p0  }
0x20: {  	[sflag:s8] =	ssyncset.s32 @!p0 $0xFFFFF086;
	s6 =	sadd.s32 @!p0 s3, s7;
	s7 =	simm.s32 @!p0 $0x108  }
0x21: {  	s3 =	sadd.s32 s3, s9;
	s6 =	sadd.s32 @!p0 $0x88, s6;
	s7 =	simm.s32 @p2 $0x1082  }
0x22: {  	[simem:s7], [sflag:s8] =	dma.local @!p0 [hbm:s6], $0xF7A  }
0x23: {  	s9 =	sor.u32 $0xD0000000, s2;
	s6 =	simm.s32 $0x108;
	_ =	swait.ge @!p0 [sflag:s8], $0x0  }
0x24: {  	s3 =	sadd.s32 $0x88, s3;
	s6 =	simm.s32 @!p1 $0x1082;
	[sflag:s4] =	ssyncset.s32 $0xFFFFF086  }
0x25: {  	[simem:s6], [sflag:s4] =	dma.local [hbm:s3], $0xF7A  }
0x26: {  	[smem:$0x3F9D] =	sst s1;
	(tag) =	ssettag s2;
	_ =	strace s9  }
0x27: {  	s1 =	sld [smem:$0x3FAD]  }
0x28: {  	s2 =	sld [smem:$0x3FAE]  }
0x29: {  	s4 =	sld [smem:$0x3FB0]  }
0x2a: {  	p0 =	seq.s32 s5, $0x0;
	s5 =	sld [smem:$0x3FB1]  }
0x2b: {  	s6 =	sld [smem:$0x3FB2]  }
0x2c: {  	s7 =	sld [smem:$0x3FB3]  }
0x2d: {  	s3 =	simm.s32 $0x108;
	s8 =	sld [smem:$0x3FB4]  }
0x2e: {  	s3 =	simm.s32 @!p0 $0x1082;
	s9 =	sld [smem:$0x3FB5]  }
0x2f: {  	lr =	sadd.s32 s0, s3;
	s0 =	sld [smem:$0x3FAC]  }
0x30: {  	s3 =	sld [smem:$0x3FAF]  }
0x31: {  	[smem:$0x3FB8] =	sst s10  }
0x32: {  	s10 =	sld [smem:$0x3FB6];
	_ =	sdelay $0x3  }
0x33: {  	p0 =	seq.s32 s10, $0x1;
	s10 =	sld [smem:$0x3FB8];
	_ =	sdelay $0x3  }
0x34: {  	[smem:$0x3FB8] =	sst s10  }
0x35: {  	s10 =	sld [smem:$0x3FB7];
	_ =	sdelay $0x3  }
0x36: {  	p1 =	seq.s32 s10, $0x1;
	s10 =	sld [smem:$0x3FB8];
	_ =	sdelay $0x3  }
0x37: {  	[smem:$0x3FB8] =	sst s10  }
0x38: {  	s10 =	sld [smem:$0x3FB9]  }
0x39: {  	_ = 	snop;
	(pc) =	sbr.ind lr, $3  }
0x3a: {  	_ = 	snop  }
0x3b: {  	_ = 	snop  }
0x3c: {  	p2 =	seq.s32 s10, $0x1;
	s10 =	sld [smem:$0x3FB8]  }
0x3d: {  	_ =	shalt  }
0x3e: {  	_ =	shalt  }
0x3f: {  	_ =	shalt  }
0x40: {  	_ =	shalt  }
0x41: {  	_ =	shalt  }
0x42: {  	_ =	shalt  }
0x43: {  	_ =	shalt  }
0x44: {  	_ =	shalt  }
0x45: {  	_ =	shalt  }
0x46: {  	_ =	shalt  }
0x47: {  	_ =	shalt  }
0x48: {  	_ =	shalt  }
0x49: {  	_ =	shalt  }
0x4a: {  	_ =	shalt  }
0x4b: {  	_ =	shalt  }
0x4c: {  	_ =	shalt  }
0x4d: {  	_ =	shalt  }
0x4e: {  	_ =	shalt  }
0x4f: {  	_ =	shalt  }
0x50: {  	_ =	shalt  }
0x51: {  	_ =	shalt  }
0x52: {  	_ =	shalt  }
0x53: {  	_ =	shalt  }
0x54: {  	_ =	shalt  }
0x55: {  	_ =	shalt  }
0x56: {  	_ =	shalt  }
0x57: {  	_ =	shalt  }
0x58: {  	_ =	shalt  }
0x59: {  	_ =	shalt  }
0x5a: {  	_ =	shalt  }
0x5b: {  	_ =	shalt  }
0x5c: {  	_ =	shalt  }
0x5d: {  	_ =	shalt  }
0x5e: {  	_ =	shalt  }
0x5f: {  	_ =	shalt  }
0x60: {  	_ =	shalt  }
0x61: {  	_ =	shalt  }
0x62: {  	_ =	shalt  }
0x63: {  	_ =	shalt  }
0x64: {  	_ =	shalt  }
0x65: {  	_ =	shalt  }
0x66: {  	_ =	shalt  }
0x67: {  	_ =	shalt  }
0x68: {  	_ =	shalt  }
0x69: {  	_ =	shalt  }
0x6a: {  	_ =	shalt  }
0x6b: {  	_ =	shalt  }
0x6c: {  	_ =	shalt  }
0x6d: {  	_ =	shalt  }
0x6e: {  	_ =	shalt  }
0x6f: {  	_ =	shalt  }
0x70: {  	_ =	shalt  }
0x71: {  	_ =	shalt  }
0x72: {  	_ =	shalt  }
0x73: {  	_ =	shalt  }
0x74: {  	_ =	shalt  }
0x75: {  	_ =	shalt  }
0x76: {  	_ =	shalt  }
0x77: {  	_ =	shalt  }
0x78: {  	_ =	shalt  }
0x79: {  	_ =	shalt  }
0x7a: {  	_ =	shalt  }
0x7b: {  	_ =	shalt  }
0x7c: {  	_ =	shalt  }
0x7d: {  	_ =	shalt  }
0x7e: {  	_ =	shalt  }
0x7f: {  	_ =	shalt  }
0x80: {  	_ =	shalt  }
0x81: {  	_ =	shalt  }
0x82: {  	_ =	shalt  }
0x83: {  	_ =	shalt  }
0x84: {  	_ =	shalt  }
0x85: {  	_ =	shalt  }
0x86: {  	_ =	shalt  }
0x87: {  	_ =	shalt  }
.Lfunc_end0:
.L_simem_size_0:
called_computation_lowered:
.L_overlay_start_0:
0x88: {  	s2 =	sld [smem:$0x3FD9]  }
0x89: {  	s3 =	sld [smem:$0x3FFE];
	_ =	sdelay $0x1  }
0x8a: {  	s1 =	srdreg.scid  }
0x8b: {  	s0 =	sand.u32 $0x1, s1  }
0x8c: {  	s17 =	sshll.u32 s0, $0xA;
	s2 =	sadd.s32 s3, s2  }
0x8d: {  	s2 =	sadd.s32 s2, s17  }
0x8e: {  	[smem:$0x3FC4] =	sst s2  }
0x8f: {  	_ = 	snop  }
0x90: {  	s2 =	sld [smem:$0x3FC8]  }
0x91: {  	s18 =	sld [smem:$0x3FC7];
	(tm) =	ssettm $0x1  }
0x92: {  	s4 =	sld [smem:$0x3FFB];
	_ =	sdelay $0x3  }
0x93: {  	_ =	strace s4  }
0x94: {  	s4 =	sld [smem:$0x3FFC];
	_ =	sdelay $0x3  }
0x95: {  	_ =	strace s4  }
0x96: {  	s4 =	sld [smem:$0x3FFD];
	_ =	sdelay $0x3  }
0x97: {  	_ =	strace s4  }
0x98: {  	_ =	strace $0x8FFFFFFF  }
0x99: {  	s19 =	sld [smem:$0x3FDB];
	_ =	sdelay $0x1  }
0x9a: {  	s5 =	simm.s32 $_scs_section_size  }
0x9b: {  	s6 =	simm.s32 $_size__tile_overlayer_lowered;
	s7 =	simm.s32 $_tile_overlayer_lowered  }
0x9c: {  	s22 =	simm.s32 $0x1BFF;
	s21 =	sshll.u32 s7, $0x1;
	s4 =	sadd.s32 s5, s19  }
0x9d: {  	s8 =	simm.s32 $0x0;
	s20 =	sshll.u32 s6, $0x1;
	s6 =	sadd.s32 s21, s4  }
0x9e: {  	[timem:s8], [sflag:s22] =	dma.local [hbm:s6], s20  }
0x9f: {  	_ =	swait.ge [sflag:s22], s20  }
0xa0: {  	s5 =	ssub.s32 $0x0, s20;
	[sflag:s22] =	ssyncset.done $0x0  }
0xa1: {  	[sflag:s22] =	ssyncadd.s32 s5;
	_ =	sdelay $0x1  }
0xa2: {  	s23 =	simm.s32 $0x1B8B  }
0xa3: {  	_ =	swait.ge [sflag:s23], $0x1  }
0xa4: {  	[sflag:s23] =	ssyncset.done $0x0  }
0xa5: {  	s25 =	simm.s32 $0x1B8E;
	s24 =	sld [smem:$0x3FFE];
	[sflag:s23] =	ssyncadd.s32 $0xFFFFFFFF  }
0xa6: {  	s26 =	simm.s32 $execute0_lowered;
	[smem:$0x3FD2] =	sst s25  }
0xa7: {  	s6 =	sshll.u32 s26, $0x1;
	_ =	strace $0x80000046;
	[dreg:$0x1] =	wrdreg $0xFFFFFFFF  }
0xa8: {  	s28 =	simm.s32 $_size_execute0_lowered;
	s4 =	sadd.s32 s4, s6;
	[dreg:$0x0] =	wrdreg $0x0  }
0xa9: {  	s6 =	sshll.u32 s28, $0x1;
	[dreg:$0x2] =	wrdreg s4  }
0xaa: {  	[dreg:$0x3] =	wrdreg s6  }
0xab: {  	[dreg:$0x4] =	wrdreg $0xC0  }
0xac: {  	_ =	task [dreg:s8], $0x5FFFF  }
0xad: {  	[dreg:$0x1] =	wrdreg $0xFFFFFFFF  }
0xae: {  	[dreg:$0x0] =	wrdreg $0x60  }
0xaf: {  	[dreg:$0x2] =	wrdreg s24  }
0xb0: {  	[dreg:$0x3] =	wrdreg s2  }
0xb1: {  	[dreg:$0x4] =	wrdreg s18  }
0xb2: {  	[dreg:$0x5] =	wrdreg $0x9  }
0xb3: {  	_ =	task.clear_ibuf [dreg:s8], $0x6FFFF;
	_ =	strace $0x90000046  }
0xb4: {  	s29 =	simm.s32 $0x9;
	_ =	strace $0x80000048  }
0xb5: {  	_ =	swait.ge [sflag:s29], $0x1  }
0xb6: {  	[sflag:s29] =	ssyncadd.s32 $0xFFFFFFFF  }
0xb7: {  	_ =	strace $0x90000048  }
0xb8: {  	_ =	sfence  }
0xb9: {  	s30 =	sld [smem:$0x0];
	_ =	sdelay $0x2  }
0xba: {  	s31 =	sshll.u32 s1, $0xD;
	s1 =	sshrl.u32 s1, $0x2  }
0xbb: {  	s3 =	sand.u32 $0x4000, s31;
	s1 =	sadd.s32 s1, s30  }
0xbc: {  	s0 =	sor.u32 s3, s0;
	s1 =	sshll.u32 s1, $0x11  }
0xbd: {  	s0 =	sor.u32 s1, s0  }
0xbe: {  	s0 =	sadd.s32 $0x8F2B, s0  }
0xbf: {  	[sflag:s0] =	ssyncadd.remote.s32 $0x1  }
0xc0: {  	_ =	sfence.sel $0xFFFF  }
0xc1: {  	[dreg:$0x0] =	wrdreg $0xFFFFFFFF;
	(pc) =	sbr.abs _section_cstart, $3  }
0xc2: {  	[dreg:$0x1] =	wrdreg $0xFFFFFFFF  }
0xc3: {  	_ =	task.clear_ibuf [dreg:s8], $0x2FFFF;
	_ =	strace $0x9FFFFFFF  }
0xc4: {  	(tm) =	ssettm $0x7FFFFFFF  }
0xc5: {  	_ =	shalt  }
tec
execute0_lowered:
.L_overlay_start_1:
0x0: {  	(tag) =	ssettag $0x1  }
0x1: {  	s1 =	rddreg [dreg:$0x0]  }
0x2: {  	s2 =	rddreg [dreg:$0x1]  }
0x3: {  	s3 =	rddreg [dreg:$0x2]  }
0x4: {  	s4 =	srdreg.scid;
	s0 =	rddreg [dreg:$0x3]  }
0x5: {  	s5 =	simm.s32 $0x0;
	s15 =	simm.s32 $0x18700;
	s16 =	simm.s32 $0x19700  }
0x6: {  	s17 =	simm.s32 $0x1C900;
	s18 =	simm.s32 $0x1;
	s6 =	sand.u32 $0x1, s4  }
0x7: {  	s19 =	simm.s32 $0x2;
	s4 =	stileid.u32;
	s9 =	sshll.u32 s6, $0x4  }
0x8: {  	s20 =	simm.s32 $0x0;
	[smem:$0x7FF] =	sst s5;
	s13 =	sor.u32 s4, s9  }
0x9: {  	_ =	strace $0x80000047;
	s10 =	ssub.s32 $0x2, s6;
	s7 =	smul.u32 $0x320, s13  }
.Ltmp0:
0xa: {  	s6 =	sadd.s32 $0x200, s1;
	s31 =	sshrl.u32 s10, $0x1;
	(pc) =	sbr.rel .LBB2_1-.Ltmp0, $4  }
0xb: {  	s9 =	sxor.u32 $0x7D0, s9;
	s8 =	sshll.u32 s13, $0x1;
	s11 =	smul.u32 $0x190, s13  }
0xc: {  	s14 =	ssub.s32 s10, s31;
	s10 =	sor.u32 $0x40, s13;
	s13 =	sor.u32 $0x20, s13  }
0xd: {  	s12 =	sadd.s32 s8, s1;
	s7 =	sadd.s32 s3, s7;
	s8 =	sadd.s32 s2, s11  }
0xe: {  	v0 =	vlaneseq.u32;
	s11 =	sadd.s32 $0x3400, s12;
	s12 =	smax.u32 s14, $0x1;
	s14 =	simm.s32 $0x3  }
.LBB2_11:
0xf: {  	v1 =	vadd.f32 v1, v2;
	s20 =	sadd.s32 $0x1, s20  }
0x10: {  	p0 =	sne.s32 s20, s12  }
.Ltmp1:
0x11: {  	[tilespmem:$0x1C900] =	vst v1;
	(pc) =	sbr.rel @!p0 .LBB2_12-.Ltmp1, $4  }
0x12: {  	[hbm4b:s11+s5] =	stream.linear.scatter [tilespmem:s17], [sflag:$0x3], $0x10, $0x38;
	[tilespmem:$0x1E200] =	vst v63  }
0x13: {  	_ =	swait.ge [sflag:s14], $0x10  }
0x14: {  	[sflag:s14] =	ssyncset.done $0x0  }
0x15: {  	[sflag:s14] =	ssyncadd.s32 $0xFFFFFFF0  }
.LBB2_1:
0x16: {  	[tilespmem:s5], [sflag:$0x3] =	stream.linear.gather [hbm4b:s6+s5], $0x18700, $0x38;
	[tilespmem:$0x1E200] =	vst v63  }
0x17: {  	_ =	swait.ge [sflag:s14], $0x18700  }
0x18: {  	[sflag:s14] =	ssyncset.done $0x0  }
0x19: {  	[sflag:s14] =	ssyncadd.s32 $0xFFFE7900  }
0x1a: {  	[tilespmem:s15], [sflag:$0x3] =	stream.linear.gather [hbm4b:s1+s5], $0x1000, $0x38;
	[tilespmem:$0x1E200] =	vst v63  }
0x1b: {  	_ =	swait.ge [sflag:s14], $0x1000  }
.Ltmp2:
0x1c: {  	[sflag:s14] =	ssyncset.done $0x0;
	(pc) =	sbr.rel .LBB2_2-.Ltmp2, $4  }
0x1d: {  	[sflag:s14] =	ssyncadd.s32 $0xFFFFF000  }
0x1e: {  	[tilespmem:s16], [sflag:$0x1] =	stream.linear.gather [hbm4b:s7+s5], $0x1900, $0x38;
	[tilespmem:$0x1E200] =	vst v63  }
0x1f: {  	s21 =	simm.s32 $0x0  }
0x20: {  	v1 =	vimm.f32 $0.0e+00;
	v2 =	vimm.f32 $0.0e+00;
	[tilespmem:s17], [sflag:$0x1] =	stream.linear.gather [hbm4b:s8+s5], $0xC80, $0x38;
	[tilespmem:$0x1E200] =	vst v63  }
.LBB2_10:
0x21: {  	s21 =	sadd.s32 $0x1, s21  }
0x22: {  	p0 =	sne.s32 s21, $0x20  }
.Ltmp3:
0x23: {  	_ = 	snop;
	(pc) =	sbr.rel @!p0 .LBB2_11-.Ltmp3, $1  }
0x24: {  	_ =	sdelay $0x3  }
.LBB2_2:
0x25: {  	s22 =	sshll.u32 s21, $0x6  }
0x26: {  	s23 =	sor.u32 s13, s22  }
0x27: {  	p0 =	sgt.u32 s23, $0x7CF  }
0x28: {  	p1 =	sge.u32 s22, s9;
	s24 =	smul.u32 @!p0 $0x320, s23  }
.Ltmp4:
0x29: {  	s25 =	simm.s32 @!p0 $0x0;
	(pc) =	sbr.rel @p1 .LBB2_6-.Ltmp4, $4  }
0x2a: {  	s26 =	simm.s32 @!p0 $0x1B000;
	s23 =	smul.u32 @!p0 $0x190, s23;
	s24 =	sadd.s32 @!p0 s3, s24  }
0x2b: {  	[tilespmem:s26], [sflag:$0x2] =	stream.linear.gather @!p0 [hbm4b:s24+s25], $0x1900, $0x38;
	[tilespmem:$0x1E200] =	vst v63  }
0x2c: {  	s23 =	sadd.s32 @!p0 s2, s23;
	s24 =	simm.s32 @!p0 $0x1D580  }
0x2d: {  	[tilespmem:s24], [sflag:$0x2] =	stream.linear.gather @!p0 [hbm4b:s23+s25], $0xC80, $0x38;
	[tilespmem:$0x1E200] =	vst v63  }
0x2e: {  	_ =	swait.ge [sflag:s18], $0x1900  }
0x2f: {  	[sflag:s18] =	ssyncset.done $0x0  }
0x30: {  	[sflag:s18] =	ssyncadd.s32 $0xFFFFE700  }
0x31: {  	_ =	swait.ge [sflag:s18], $0xC80  }
0x32: {  	[sflag:s18] =	ssyncset.done $0x0  }
0x33: {  	s24 =	simm.s32 $0x19780;
	[sflag:s18] =	ssyncadd.s32 $0xFFFFF380  }
0x34: {  	v11 =	vld [tilespmem:s24+$0x60]  }
0x35: {  	v12 =	vld [tilespmem:s24+$0x70]  }
0x36: {  	v13 =	vld [tilespmem:s24+$0xFFFFFFE0]  }
0x37: {  	v14 =	vld [tilespmem:s24+$0xFFFFFFF0]  }
0x38: {  	v15 =	vld [tilespmem:s24+$0x40]  }
0x39: {  	v16 =	vld [tilespmem:s24+$0x50]  }
0x3a: {  	v17 =	vld [tilespmem:s24+$0xFFFFFFC0]  }
0x3b: {  	v18 =	vld [tilespmem:s24+$0xFFFFFFD0]  }
0x3c: {  	v19 =	vld [tilespmem:s24+$0x20]  }
0x3d: {  	v20 =	vld [tilespmem:s24+$0x30]  }
0x3e: {  	v21 =	vld [tilespmem:s24+$0xFFFFFFA0]  }
0x3f: {  	v22 =	vld [tilespmem:s24+$0xFFFFFFB0]  }
0x40: {  	v23 =	vld [tilespmem:s24+$0x0]  }
0x41: {  	v24 =	vld [tilespmem:s24+$0x10]  }
0x42: {  	v25 =	vld [tilespmem:s24+$0xFFFFFF80]  }
0x43: {  	s23 =	simm.s32 $0x1C940;
	v26 =	vld [tilespmem:s24+$0xFFFFFF90]  }
0x44: {  	v8 =	vld [tilespmem:s23+$0x20]  }
0x45: {  	v3 =	vld [tilespmem:s23+$0x30]  }
0x46: {  	v7 =	vld [tilespmem:s23+$0x0]  }
0x47: {  	v6 =	vld [tilespmem:s23+$0x10]  }
0x48: {  	v5 =	vld [tilespmem:s23+$0xFFFFFFE0]  }
0x49: {  	v4 =	vld [tilespmem:s23+$0xFFFFFFF0]  }
0x4a: {  	v10 =	vld [tilespmem:s23+$0xFFFFFFC0]  }
0x4b: {  	v9 =	vld [tilespmem:s23+$0xFFFFFFD0]  }
0x4c: {  	v27 =	vld.idx.msk [tilespmem:v11+s5+$0x0], $0xffff  }
0x4d: {  	v28 =	vld.idx.msk [tilespmem:v12+s5+$0x0], $0xffff  }
0x4e: {  	v29 =	vld.idx.msk [tilespmem:v13+s5+$0x0], $0xffff  }
0x4f: {  	v30 =	vld.idx.msk [tilespmem:v14+s5+$0x0], $0xffff  }
0x50: {  	v31 =	vld.idx.msk [tilespmem:v15+s5+$0x0], $0xffff  }
0x51: {  	v32 =	vld.idx.msk [tilespmem:v16+s5+$0x0], $0xffff  }
0x52: {  	v33 =	vld.idx.msk [tilespmem:v17+s5+$0x0], $0xffff  }
0x53: {  	v11 =	vmax.f32 v8, $0.0e+00;
	v12 =	vand.u32 $0x7FFFFFFF, v8;
	v34 =	vld.idx.msk [tilespmem:v19+s5+$0x0], $0xffff  }
0x54: {  	v15 =	vand.u32 $0x7FFFFFFF, v3;
	v16 =	vand.u32 $0x7FFFFFFF, v7;
	v35 =	vld.idx.msk [tilespmem:v20+s5+$0x0], $0xffff;
	v14 =	vmul.f32 $-1.442695020e+00, v12  }
0x55: {  	v13 =	vmax.f32 v7, $0.0e+00;
	v17 =	vand.u32 $0x7FFFFFFF, v6;
	v19 =	vld.idx.msk [tilespmem:v21+s5+$0x0], $0xffff;
	v15 =	vmul.f32 $-1.442695020e+00, v15  }
0x56: {  	v20 =	vld.idx.msk [tilespmem:v22+s5+$0x0], $0xffff;
	v12 =	vmax.f32 v3, $0.0e+00;
	v16 =	vmul.f32 $-1.442695020e+00, v16;
	(erf) = vpow2.f32 v14  }
0x57: {  	v22 =	vld.idx.msk [tilespmem:v25+s5+$0x0], $0xffff;
	v17 =	vmul.f32 $-1.442695020e+00, v17;
	v14 =	vand.u32 $0x7FFFFFFF, v5;
	(erf) = vpow2.f32 v15  }
0x58: {  	v25 =	vld.idx.msk [tilespmem:v26+s5+$0x0], $0xffff;
	v14 =	vmul.f32 $-1.442695020e+00, v14;
	v15 =	vand.u32 $0x7FFFFFFF, v4;
	(erf) = vpow2.f32 v16  }
0x59: {  	v16 =	vand.u32 $0x7FFFFFFF, v10;
	v21 =	vmul.f32 $-1.442695020e+00, v15;
	(erf) = vpow2.f32 v17  }
0x5a: {  	v18 =	vld.idx.msk [tilespmem:v18+s5+$0x0], $0xffff;
	v15 =	vand.u32 $0x7FFFFFFF, v9;
	v17 =	vmul.f32 $-1.442695020e+00, v16;
	(erf) = vpow2.f32 v14  }
0x5b: {  	v36 =	vld.idx.msk [tilespmem:v24+s5+$0x0], $0xffff;
	v24 =	vshll.u32 v30, $0x4;
	v26 =	vmul.f32 $-1.442695020e+00, v15;
	(erf) = vpow2.f32 v21  }
0x5c: {  	v22 =	vshll.u32 v22, $0x4;
	v30 =	vshll.u32 v19, $0x4;
	(erf) = vpow2.f32 v17  }
0x5d: {  	v63 =	vshll.u32 v20, $0x4;
	v25 =	vshll.u32 v25, $0x4;
	v21 =	vld.idx.msk [tilespmem:v23+s5+$0x0], $0xffff;
	(erf) = vpow2.f32 v26  }
0x5e: {  	v15 =	vmax.f32 v6, $0.0e+00;
	v16 =	vmax.f32 v5, $0.0e+00;
	v24 =	vor.u32 v24, v28  }
0x5f: {  	v14 =	vmax.f32 v4, $0.0e+00;
	v23 =	vshll.u32 v29, $0x4;
	v29 =	vshll.u32 v18, $0x4;
	v18 =	vpop (erf)  }
0x60: {  	v17 =	vmax.f32 v10, $0.0e+00;
	v23 =	vor.u32 v23, v27;
	v27 =	vor.u32 v30, v34;
	v19 =	vpop (erf)  }
0x61: {  	v28 =	vor.u32 v29, v32;
	v30 =	vor.u32 v63, v35;
	v26 =	vshll.u32 v33, $0x4;
	v20 =	vpop (erf)  }
0x62: {  	s25 =	simm.s32 $0x19880;
	s24 =	simm.s32 $0x0;
	v26 =	vor.u32 v26, v31;
	v29 =	vor.u32 v22, v21;
	v22 =	vor.u32 v25, v36;
	v21 =	vpop (erf)  }
.LBB2_4:
0x63: {  	v25 =	vld [tilespmem:s25+$0x60];
	v39 =	vor.u32 v0, v26;
	v40 =	vor.u32 v0, v23;
	v38 =	vor.u32 v0, v24;
	v41 =	vpop (erf)  }
0x64: {  	v42 =	vor.u32 v0, v27;
	v43 =	vor.u32 v0, v30;
	v44 =	vor.u32 v0, v28;
	v26 =	vld [tilespmem:s25+$0x70];
	v45 =	vpop (erf)  }
0x65: {  	v46 =	vor.u32 v0, v29;
	v23 =	vmul.f32 $5.486285310e-02, v18;
	v28 =	vmul.f32 $5.486285310e-02, v19;
	v24 =	vld [tilespmem:s25+$0xFFFFFFE0];
	v47 =	vpop (erf)  }
0x66: {  	v48 =	vor.u32 v0, v22;
	v22 =	vmul.f32 $5.486285310e-02, v20;
	v30 =	vmul.f32 $5.486285310e-02, v21;
	v27 =	vld [tilespmem:s25+$0xFFFFFFF0];
	v49 =	vpop (erf)  }
0x67: {  	v31 =	vmul.f32 $5.486285310e-02, v41;
	v32 =	vmul.f32 $5.486285310e-02, v45;
	v23 =	vsub.f32 $2.164104430e-01, v23;
	v29 =	vld [tilespmem:s25+$0x40]  }
0x68: {  	v22 =	vsub.f32 $2.164104430e-01, v22;
	v28 =	vsub.f32 $2.164104430e-01, v28;
	v36 =	vmul.f32 $5.486285310e-02, v47;
	v35 =	vld [tilespmem:s25+$0x50]  }
0x69: {  	v30 =	vsub.f32 $2.164104430e-01, v30;
	v50 =	vsub.f32 $2.164104430e-01, v31;
	v37 =	vmul.f32 $5.486285310e-02, v49;
	v33 =	vld [tilespmem:s25+$0xFFFFFFC0]  }
0x6a: {  	v51 =	vsub.f32 $2.164104430e-01, v32;
	v23 =	vmul.f32 v23, v18;
	v28 =	vmul.f32 v28, v19;
	v34 =	vld [tilespmem:s25+$0xFFFFFFD0]  }
0x6b: {  	v22 =	vmul.f32 v22, v20;
	v52 =	vmul.f32 v30, v21;
	v36 =	vsub.f32 $2.164104430e-01, v36;
	v31 =	vld [tilespmem:s25+$0x20]  }
0x6c: {  	v50 =	vmul.f32 v50, v41;
	v37 =	vsub.f32 $2.164104430e-01, v37;
	v51 =	vmul.f32 v51, v45;
	v32 =	vld [tilespmem:s25+$0x30]  }
0x6d: {  	v23 =	vadd.f32 $-4.640725850e-01, v23;
	v53 =	vadd.f32 $-4.640725850e-01, v28;
	v36 =	vmul.f32 v36, v47;
	v30 =	vld [tilespmem:s25+$0xFFFFFFA0]  }
0x6e: {  	v52 =	vadd.f32 $-4.640725850e-01, v52;
	v54 =	vmul.f32 v37, v49;
	v37 =	vadd.f32 $-4.640725850e-01, v22;
	v28 =	vld [tilespmem:s25+$0xFFFFFFB0]  }
0x6f: {  	v50 =	vadd.f32 $-4.640725850e-01, v50;
	v51 =	vadd.f32 $-4.640725850e-01, v51;
	v55 =	vmul.f32 v23, v18;
	v22 =	vld [tilespmem:s25+$0x0]  }
0x70: {  	v53 =	vmul.f32 v53, v19;
	v56 =	vadd.f32 $-4.640725850e-01, v36;
	v57 =	vmul.f32 v37, v20;
	v23 =	vld [tilespmem:s25+$0x10]  }
0x71: {  	v52 =	vmul.f32 v52, v21;
	v50 =	vmul.f32 v50, v41;
	v54 =	vadd.f32 $-4.640725850e-01, v54;
	v37 =	vld [tilespmem:s25+$0xFFFFFF80]  }
0x72: {  	s23 =	sadd.s32 $0x80, s23;
	v51 =	vmul.f32 v51, v45;
	v55 =	vadd.f32 $9.954273100e-01, v55;
	v53 =	vadd.f32 $9.954273100e-01, v53;
	v36 =	vld [tilespmem:s25+$0xFFFFFF90]  }
0x73: {  	v52 =	vadd.f32 $9.954273100e-01, v52;
	v56 =	vmul.f32 v56, v47;
	v57 =	vadd.f32 $9.954273100e-01, v57;
	v58 =	vld [tilespmem:s23+$0x20]  }
0x74: {  	v50 =	vadd.f32 $9.954273100e-01, v50;
	v54 =	vmul.f32 v54, v49;
	v51 =	vadd.f32 $9.954273100e-01, v51;
	v59 =	vld [tilespmem:s23+$0x30]  }
0x75: {  	v18 =	vmul.f32 v55, v18;
	v19 =	vmul.f32 v53, v19;
	v56 =	vadd.f32 $9.954273100e-01, v56;
	v40 =	vld.idx.msk [tilespmem:v40+s15+$0x0], $0xffff  }
0x76: {  	v21 =	vmul.f32 v52, v21;
	v53 =	vadd.f32 $9.954273100e-01, v54;
	v20 =	vmul.f32 v57, v20;
	v39 =	vld.idx.msk [tilespmem:v39+s15+$0x0], $0xffff  }
0x77: {  	v41 =	vmul.f32 v50, v41;
	v45 =	vmul.f32 v51, v45;
	v18 =	vadd.f32 $1.415121810e-04, v18;
	v46 =	vld.idx.msk [tilespmem:v46+s15+$0x0], $0xffff  }
0x78: {  	v19 =	vadd.f32 $1.415121810e-04, v19;
	v47 =	vmul.f32 v56, v47;
	v20 =	vadd.f32 $1.415121810e-04, v20;
	v48 =	vld.idx.msk [tilespmem:v48+s15+$0x0], $0xffff  }
0x79: {  	v21 =	vadd.f32 $1.415121810e-04, v21;
	v41 =	vadd.f32 $1.415121810e-04, v41;
	v49 =	vmul.f32 v53, v49;
	v42 =	vld.idx.msk [tilespmem:v42+s15+$0x0], $0xffff  }
0x7a: {  	v50 =	vmax.f32 v9, $0.0e+00;
	v45 =	vadd.f32 $1.415121810e-04, v45;
	v47 =	vadd.f32 $1.415121810e-04, v47;
	v43 =	vld.idx.msk [tilespmem:v43+s15+$0x0], $0xffff  }
0x7b: {  	v11 =	vadd.f32 v18, v11;
	v49 =	vadd.f32 $1.415121810e-04, v49;
	v18 =	vmul.f32 v8, v40;
	v8 =	vmovc v58;
	v44 =	vld.idx.msk [tilespmem:v44+s15+$0x0], $0xffff  }
0x7c: {  	v12 =	vadd.f32 v19, v12;
	v13 =	vadd.f32 v20, v13;
	v20 =	vmul.f32 v7, v39;
	v7 =	vld [tilespmem:s23+$0x0]  }
0x7d: {  	v15 =	vadd.f32 v21, v15;
	v16 =	vadd.f32 v41, v16;
	v10 =	vmul.f32 v10, v46;
	v19 =	vld.idx.msk [tilespmem:v38+s15+$0x0], $0xffff  }
0x7e: {  	v17 =	vadd.f32 v47, v17;
	v38 =	vadd.f32 v49, v50;
	v9 =	vmul.f32 v9, v48;
	v21 =	vld [tilespmem:s23+$0x10]  }
0x7f: {  	v14 =	vadd.f32 v45, v14;
	v18 =	vsub.f32 v11, v18;
	v39 =	vmul.f32 v5, v42;
	v5 =	vld [tilespmem:s23+$0xFFFFFFE0]  }
0x80: {  	v11 =	vsub.f32 v17, v10;
	v17 =	vsub.f32 v38, v9;
	v38 =	vmul.f32 v4, v43;
	v4 =	vld [tilespmem:s23+$0xFFFFFFF0]  }
0x81: {  	v13 =	vsub.f32 v13, v20;
	v16 =	vsub.f32 v16, v39;
	v39 =	vmul.f32 v6, v44;
	v10 =	vld [tilespmem:s23+$0xFFFFFFC0]  }
0x82: {  	v11 =	vmin.f32 v11, $1.000000000e+02;
	v17 =	vmin.f32 v17, $1.000000000e+02;
	v14 =	vsub.f32 v14, v38;
	v9 =	vld [tilespmem:s23+$0xFFFFFFD0]  }
0x83: {  	v2 =	vadd.f32 v11, v2;
	v1 =	vadd.f32 v17, v1;
	v11 =	vmul.f32 v3, v19;
	v20 =	vld.idx.msk [tilespmem:v25+s5+$0x0], $0xffff  }
0x84: {  	v16 =	vmin.f32 v16, $1.000000000e+02;
	v15 =	vsub.f32 v15, v39;
	v3 =	vmovc v59;
	v14 =	vmin.f32 v14, $1.000000000e+02;
	v6 =	vmovc v21;
	v19 =	vld.idx.msk [tilespmem:v26+s5+$0x0], $0xffff  }
0x85: {  	v2 =	vadd.f32 v16, v2;
	v1 =	vadd.f32 v14, v1;
	v21 =	vld.idx.msk [tilespmem:v24+s5+$0x0], $0xffff  }
0x86: {  	v13 =	vmin.f32 v13, $1.000000000e+02;
	v14 =	vmin.f32 v15, $1.000000000e+02;
	v12 =	vsub.f32 v12, v11;
	v24 =	vld.idx.msk [tilespmem:v27+s5+$0x0], $0xffff  }
0x87: {  	v2 =	vadd.f32 v13, v2;
	v1 =	vadd.f32 v14, v1;
	v25 =	vld.idx.msk [tilespmem:v29+s5+$0x0], $0xffff  }
0x88: {  	v11 =	vmax.f32 v8, $0.0e+00;
	v13 =	vmin.f32 v18, $1.000000000e+02;
	v12 =	vmin.f32 v12, $1.000000000e+02;
	v29 =	vld.idx.msk [tilespmem:v35+s5+$0x0], $0xffff  }
0x89: {  	v14 =	vand.u32 $0x7FFFFFFF, v8;
	v2 =	vadd.f32 v13, v2;
	v1 =	vadd.f32 v12, v1;
	v18 =	vld.idx.msk [tilespmem:v33+s5+$0x0], $0xffff  }
0x8a: {  	v15 =	vand.u32 $0x7FFFFFFF, v3;
	v14 =	vmul.f32 $-1.442695020e+00, v14;
	v12 =	vmax.f32 v3, $0.0e+00;
	v26 =	vld.idx.msk [tilespmem:v34+s5+$0x0], $0xffff  }
0x8b: {  	v16 =	vand.u32 $0x7FFFFFFF, v7;
	v15 =	vmul.f32 $-1.442695020e+00, v15;
	v13 =	vmax.f32 v7, $0.0e+00;
	v27 =	vld.idx.msk [tilespmem:v31+s5+$0x0], $0xffff  }
0x8c: {  	v16 =	vmul.f32 $-1.442695020e+00, v16;
	v17 =	vand.u32 $0x7FFFFFFF, v6;
	v31 =	vld.idx.msk [tilespmem:v32+s5+$0x0], $0xffff;
	(erf) = vpow2.f32 v14  }
0x8d: {  	v17 =	vmul.f32 $-1.442695020e+00, v17;
	v14 =	vand.u32 $0x7FFFFFFF, v5;
	v30 =	vld.idx.msk [tilespmem:v30+s5+$0x0], $0xffff;
	(erf) = vpow2.f32 v15  }
0x8e: {  	v14 =	vmul.f32 $-1.442695020e+00, v14;
	v15 =	vand.u32 $0x7FFFFFFF, v4;
	v28 =	vld.idx.msk [tilespmem:v28+s5+$0x0], $0xffff;
	(erf) = vpow2.f32 v16  }
0x8f: {  	v16 =	vand.u32 $0x7FFFFFFF, v10;
	v33 =	vmul.f32 $-1.442695020e+00, v15;
	v32 =	vld.idx.msk [tilespmem:v37+s5+$0x0], $0xffff;
	(erf) = vpow2.f32 v17  }
0x90: {  	v15 =	vand.u32 $0x7FFFFFFF, v9;
	v17 =	vmul.f32 $-1.442695020e+00, v16;
	v34 =	vld.idx.msk [tilespmem:v36+s5+$0x0], $0xffff;
	(erf) = vpow2.f32 v14  }
0x91: {  	v35 =	vmul.f32 $-1.442695020e+00, v15;
	v15 =	vmax.f32 v6, $0.0e+00;
	v22 =	vld.idx.msk [tilespmem:v22+s5+$0x0], $0xffff;
	(erf) = vpow2.f32 v33  }
0x92: {  	s24 =	sadd.s32 $0x4, s24;
	v16 =	vmax.f32 v5, $0.0e+00;
	v14 =	vmax.f32 v4, $0.0e+00;
	v33 =	vld.idx.msk [tilespmem:v23+s5+$0x0], $0xffff;
	(erf) = vpow2.f32 v17  }
0x93: {  	p1 =	slt.u32 s24, $0x60;
	v21 =	vshll.u32 v21, $0x4;
	v17 =	vmax.f32 v10, $0.0e+00;
	(erf) = vpow2.f32 v35  }
.Ltmp5:
0x94: {  	v24 =	vshll.u32 v24, $0x4;
	v36 =	vshll.u32 v26, $0x4;
	v35 =	vshll.u32 v18, $0x4;
	(pc) =	sbr.rel @p1 .LBB2_4-.Ltmp5, $4  }
0x95: {  	v26 =	vshll.u32 v30, $0x4;
	v30 =	vshll.u32 v28, $0x4;
	v32 =	vshll.u32 v32, $0x4;
	v18 =	vpop (erf)  }
0x96: {  	v24 =	vor.u32 v24, v19;
	v23 =	vor.u32 v21, v20;
	v34 =	vshll.u32 v34, $0x4;
	v19 =	vpop (erf)  }
0x97: {  	v27 =	vor.u32 v26, v27;
	v28 =	vor.u32 v36, v29;
	v26 =	vor.u32 v35, v25;
	v20 =	vpop (erf)  }
0x98: {  	s25 =	sadd.s32 $0x100, s25;
	v30 =	vor.u32 v30, v31;
	v29 =	vor.u32 v32, v22;
	v22 =	vor.u32 v34, v33;
	v21 =	vpop (erf)  }
0x99: {  	v25 =	vor.u32 v0, v26;
	v23 =	vor.u32 v0, v23;
	v24 =	vor.u32 v0, v24  }
0x9a: {  	v46 =	vor.u32 v0, v27;
	v47 =	vor.u32 v0, v30;
	v28 =	vor.u32 v0, v28  }
0x9b: {  	v48 =	vpop (erf);
	v29 =	vor.u32 v0, v29;
	v31 =	vmul.f32 $5.486285310e-02, v18;
	v32 =	vmul.f32 $5.486285310e-02, v19  }
0x9c: {  	v22 =	vor.u32 v0, v22;
	v34 =	vmul.f32 $5.486285310e-02, v20;
	v35 =	vmul.f32 $5.486285310e-02, v21;
	v33 =	vpop (erf)  }
0x9d: {  	v56 =	vmax.f32 v9, $0.0e+00;
	v37 =	vmul.f32 $5.486285310e-02, v48;
	v36 =	vpop (erf);
	v31 =	vsub.f32 $2.164104430e-01, v31  }
0x9e: {  	v38 =	vmul.f32 $5.486285310e-02, v33;
	v34 =	vsub.f32 $2.164104430e-01, v34;
	v32 =	vsub.f32 $2.164104430e-01, v32;
	v39 =	vpop (erf)  }
0x9f: {  	v35 =	vsub.f32 $2.164104430e-01, v35;
	v40 =	vmul.f32 $5.486285310e-02, v36;
	v41 =	vmul.f32 $5.486285310e-02, v39  }
0xa0: {  	v37 =	vsub.f32 $2.164104430e-01, v37;
	v31 =	vmul.f32 v31, v18;
	v32 =	vmul.f32 v32, v19  }
0xa1: {  	v38 =	vsub.f32 $2.164104430e-01, v38;
	v34 =	vmul.f32 v34, v20;
	v35 =	vmul.f32 v35, v21  }
0xa2: {  	v40 =	vsub.f32 $2.164104430e-01, v40;
	v37 =	vmul.f32 v37, v48;
	v41 =	vsub.f32 $2.164104430e-01, v41  }
0xa3: {  	v38 =	vmul.f32 v38, v33;
	v31 =	vadd.f32 $-4.640725850e-01, v31;
	v32 =	vadd.f32 $-4.640725850e-01, v32  }
0xa4: {  	v34 =	vadd.f32 $-4.640725850e-01, v34;
	v35 =	vadd.f32 $-4.640725850e-01, v35;
	v40 =	vmul.f32 v40, v36  }
0xa5: {  	v37 =	vadd.f32 $-4.640725850e-01, v37;
	v41 =	vmul.f32 v41, v39;
	v31 =	vmul.f32 v31, v18  }
0xa6: {  	v38 =	vadd.f32 $-4.640725850e-01, v38;
	v34 =	vmul.f32 v34, v20;
	v32 =	vmul.f32 v32, v19  }
0xa7: {  	v35 =	vmul.f32 v35, v21;
	v40 =	vadd.f32 $-4.640725850e-01, v40;
	v41 =	vadd.f32 $-4.640725850e-01, v41  }
0xa8: {  	v37 =	vmul.f32 v37, v48;
	v31 =	vadd.f32 $9.954273100e-01, v31;
	v32 =	vadd.f32 $9.954273100e-01, v32  }
0xa9: {  	v38 =	vmul.f32 v38, v33;
	v34 =	vadd.f32 $9.954273100e-01, v34;
	v35 =	vadd.f32 $9.954273100e-01, v35  }
0xaa: {  	v40 =	vmul.f32 v40, v36;
	v37 =	vadd.f32 $9.954273100e-01, v37;
	v41 =	vmul.f32 v41, v39  }
0xab: {  	v38 =	vadd.f32 $9.954273100e-01, v38;
	v49 =	vmul.f32 v31, v18;
	v50 =	vmul.f32 v32, v19  }
0xac: {  	v23 =	vld.idx.msk [tilespmem:v23+s15+$0x0], $0xffff;
	v52 =	vmul.f32 v34, v20;
	v53 =	vmul.f32 v35, v21;
	v40 =	vadd.f32 $9.954273100e-01, v40  }
0xad: {  	v25 =	vld.idx.msk [tilespmem:v25+s15+$0x0], $0xffff;
	v30 =	vmul.f32 v37, v48;
	v51 =	vadd.f32 $9.954273100e-01, v41;
	v18 =	vadd.f32 $1.415121810e-04, v49  }
0xae: {  	v29 =	vld.idx.msk [tilespmem:v29+s15+$0x0], $0xffff;
	v54 =	vmul.f32 v38, v33;
	v20 =	vadd.f32 $1.415121810e-04, v52;
	v19 =	vadd.f32 $1.415121810e-04, v50  }
0xaf: {  	v22 =	vld.idx.msk [tilespmem:v22+s15+$0x0], $0xffff;
	v21 =	vadd.f32 $1.415121810e-04, v53;
	v55 =	vmul.f32 v40, v36;
	v30 =	vadd.f32 $1.415121810e-04, v30  }
0xb0: {  	v26 =	vld.idx.msk [tilespmem:v46+s15+$0x0], $0xffff;
	v31 =	vmul.f32 v51, v39;
	v32 =	vadd.f32 $1.415121810e-04, v54;
	v11 =	vadd.f32 v18, v11  }
0xb1: {  	v27 =	vld.idx.msk [tilespmem:v47+s15+$0x0], $0xffff;
	v8 =	vmul.f32 v8, v23;
	v13 =	vadd.f32 v20, v13;
	v12 =	vadd.f32 v19, v12  }
0xb2: {  	v57 =	vld.idx.msk [tilespmem:v28+s15+$0x0], $0xffff;
	v7 =	vmul.f32 v7, v25;
	v33 =	vadd.f32 $1.415121810e-04, v55;
	v31 =	vadd.f32 $1.415121810e-04, v31  }
0xb3: {  	v10 =	vmul.f32 v10, v29;
	v15 =	vadd.f32 v21, v15;
	v16 =	vadd.f32 v30, v16  }
0xb4: {  	v58 =	vld.idx.msk [tilespmem:v24+s15+$0x0], $0xffff;
	v60 =	vmul.f32 v9, v22;
	v17 =	vadd.f32 v33, v17;
	v59 =	vadd.f32 v31, v56  }
0xb5: {  	v5 =	vmul.f32 v5, v26;
	v14 =	vadd.f32 v32, v14;
	v8 =	vsub.f32 v11, v8  }
0xb6: {  	v4 =	vmul.f32 v4, v27;
	v10 =	vsub.f32 v17, v10;
	v9 =	vsub.f32 v59, v60  }
0xb7: {  	v6 =	vmul.f32 v6, v57;
	v7 =	vsub.f32 v13, v7;
	v5 =	vsub.f32 v16, v5  }
0xb8: {  	v4 =	vsub.f32 v14, v4;
	v10 =	vmin.f32 v10, $1.000000000e+02;
	v9 =	vmin.f32 v9, $1.000000000e+02  }
0xb9: {  	v3 =	vmul.f32 v3, v58;
	v2 =	vadd.f32 v10, v2;
	v1 =	vadd.f32 v9, v1  }
0xba: {  	v6 =	vsub.f32 v15, v6;
	v5 =	vmin.f32 v5, $1.000000000e+02;
	v4 =	vmin.f32 v4, $1.000000000e+02  }
0xbb: {  	v2 =	vadd.f32 v5, v2;
	v1 =	vadd.f32 v4, v1  }
0xbc: {  	v3 =	vsub.f32 v12, v3;
	v61 =	vmin.f32 v7, $1.000000000e+02;
	v62 =	vmin.f32 v6, $1.000000000e+02  }
0xbd: {  	v2 =	vadd.f32 v61, v2;
	v1 =	vadd.f32 v62, v1  }
0xbe: {  	v63 =	vmin.f32 v8, $1.000000000e+02;
	v3 =	vmin.f32 v3, $1.000000000e+02  }
0xbf: {  	v2 =	vadd.f32 v63, v2;
	v1 =	vadd.f32 v3, v1  }
.LBB2_6:
0xc0: {  	s22 =	sadd.s32 s10, s22  }
0xc1: {  	p1 =	sgt.u32 s22, $0x7CF  }
0xc2: {  	s23 =	smul.u32 @!p1 $0x320, s22  }
.Ltmp6:
0xc3: {  	s24 =	simm.s32 @!p1 $0x0;
	(pc) =	sbr.rel @p0 .LBB2_10-.Ltmp6, $4  }
0xc4: {  	s25 =	simm.s32 @!p1 $0x19700;
	s22 =	smul.u32 @!p1 $0x190, s22;
	s23 =	sadd.s32 @!p1 s3, s23  }
0xc5: {  	[tilespmem:s25], [sflag:$0x1] =	stream.linear.gather @!p1 [hbm4b:s23+s24], $0x1900, $0x38;
	[tilespmem:$0x1E200] =	vst v63  }
0xc6: {  	s22 =	sadd.s32 @!p1 s2, s22;
	s23 =	simm.s32 @!p1 $0x1C900  }
0xc7: {  	[tilespmem:s23], [sflag:$0x1] =	stream.linear.gather @!p1 [hbm4b:s22+s24], $0xC80, $0x38;
	[tilespmem:$0x1E200] =	vst v63  }
0xc8: {  	_ =	swait.ge [sflag:s19], $0x1900  }
0xc9: {  	[sflag:s19] =	ssyncset.done $0x0  }
0xca: {  	[sflag:s19] =	ssyncadd.s32 $0xFFFFE700  }
0xcb: {  	_ =	swait.ge [sflag:s19], $0xC80  }
0xcc: {  	[sflag:s19] =	ssyncset.done $0x0  }
0xcd: {  	s23 =	simm.s32 $0x1B0F0;
	[sflag:s19] =	ssyncadd.s32 $0xFFFFF380  }
0xce: {  	v11 =	vld [tilespmem:s23+$0xFFFFFFF0]  }
0xcf: {  	v12 =	vld [tilespmem:s23+$0x0]  }
0xd0: {  	v13 =	vld [tilespmem:s23+$0xFFFFFF70]  }
0xd1: {  	v14 =	vld [tilespmem:s23+$0xFFFFFF80]  }
0xd2: {  	v15 =	vld [tilespmem:s23+$0xFFFFFFD0]  }
0xd3: {  	v16 =	vld [tilespmem:s23+$0xFFFFFFE0]  }
0xd4: {  	v17 =	vld [tilespmem:s23+$0xFFFFFF50]  }
0xd5: {  	v18 =	vld [tilespmem:s23+$0xFFFFFF60]  }
0xd6: {  	v19 =	vld [tilespmem:s23+$0xFFFFFFB0]  }
0xd7: {  	v20 =	vld [tilespmem:s23+$0xFFFFFFC0]  }
0xd8: {  	v21 =	vld [tilespmem:s23+$0xFFFFFF30]  }
0xd9: {  	v22 =	vld [tilespmem:s23+$0xFFFFFF40]  }
0xda: {  	v23 =	vld [tilespmem:s23+$0xFFFFFF90]  }
0xdb: {  	v24 =	vld [tilespmem:s23+$0xFFFFFFA0]  }
0xdc: {  	v25 =	vld [tilespmem:s23+$0xFFFFFF10]  }
0xdd: {  	s22 =	simm.s32 $0x1D5F0;
	v26 =	vld [tilespmem:s23+$0xFFFFFF20]  }
0xde: {  	v8 =	vld [tilespmem:s22+$0xFFFFFFF0]  }
0xdf: {  	v3 =	vld [tilespmem:s22+$0x0]  }
0xe0: {  	v7 =	vld [tilespmem:s22+$0xFFFFFFD0]  }
0xe1: {  	v6 =	vld [tilespmem:s22+$0xFFFFFFE0]  }
0xe2: {  	v5 =	vld [tilespmem:s22+$0xFFFFFFB0]  }
0xe3: {  	v4 =	vld [tilespmem:s22+$0xFFFFFFC0]  }
0xe4: {  	v10 =	vld [tilespmem:s22+$0xFFFFFF90]  }
0xe5: {  	v9 =	vld [tilespmem:s22+$0xFFFFFFA0]  }
0xe6: {  	v27 =	vld.idx.msk [tilespmem:v11+s5+$0x0], $0xffff  }
0xe7: {  	v28 =	vld.idx.msk [tilespmem:v12+s5+$0x0], $0xffff  }
0xe8: {  	v29 =	vld.idx.msk [tilespmem:v13+s5+$0x0], $0xffff  }
0xe9: {  	v30 =	vld.idx.msk [tilespmem:v14+s5+$0x0], $0xffff  }
0xea: {  	v31 =	vld.idx.msk [tilespmem:v15+s5+$0x0], $0xffff  }
0xeb: {  	v32 =	vld.idx.msk [tilespmem:v16+s5+$0x0], $0xffff  }
0xec: {  	v33 =	vld.idx.msk [tilespmem:v17+s5+$0x0], $0xffff  }
0xed: {  	v11 =	vmax.f32 v8, $0.0e+00;
	v12 =	vand.u32 $0x7FFFFFFF, v8;
	v34 =	vld.idx.msk [tilespmem:v19+s5+$0x0], $0xffff  }
0xee: {  	v15 =	vand.u32 $0x7FFFFFFF, v3;
	v16 =	vand.u32 $0x7FFFFFFF, v7;
	v35 =	vld.idx.msk [tilespmem:v20+s5+$0x0], $0xffff;
	v14 =	vmul.f32 $-1.442695020e+00, v12  }
0xef: {  	v13 =	vmax.f32 v7, $0.0e+00;
	v17 =	vand.u32 $0x7FFFFFFF, v6;
	v19 =	vld.idx.msk [tilespmem:v21+s5+$0x0], $0xffff;
	v15 =	vmul.f32 $-1.442695020e+00, v15  }
0xf0: {  	v20 =	vld.idx.msk [tilespmem:v22+s5+$0x0], $0xffff;
	v12 =	vmax.f32 v3, $0.0e+00;
	v16 =	vmul.f32 $-1.442695020e+00, v16;
	(erf) = vpow2.f32 v14  }
0xf1: {  	v22 =	vld.idx.msk [tilespmem:v25+s5+$0x0], $0xffff;
	v17 =	vmul.f32 $-1.442695020e+00, v17;
	v14 =	vand.u32 $0x7FFFFFFF, v5;
	(erf) = vpow2.f32 v15  }
0xf2: {  	v25 =	vld.idx.msk [tilespmem:v26+s5+$0x0], $0xffff;
	v14 =	vmul.f32 $-1.442695020e+00, v14;
	v15 =	vand.u32 $0x7FFFFFFF, v4;
	(erf) = vpow2.f32 v16  }
0xf3: {  	v16 =	vand.u32 $0x7FFFFFFF, v10;
	v21 =	vmul.f32 $-1.442695020e+00, v15;
	(erf) = vpow2.f32 v17  }
0xf4: {  	v18 =	vld.idx.msk [tilespmem:v18+s5+$0x0], $0xffff;
	v15 =	vand.u32 $0x7FFFFFFF, v9;
	v17 =	vmul.f32 $-1.442695020e+00, v16;
	(erf) = vpow2.f32 v14  }
0xf5: {  	v36 =	vld.idx.msk [tilespmem:v24+s5+$0x0], $0xffff;
	v24 =	vshll.u32 v30, $0x4;
	v26 =	vmul.f32 $-1.442695020e+00, v15;
	(erf) = vpow2.f32 v21  }
0xf6: {  	v22 =	vshll.u32 v22, $0x4;
	v30 =	vshll.u32 v19, $0x4;
	(erf) = vpow2.f32 v17  }
0xf7: {  	v63 =	vshll.u32 v20, $0x4;
	v25 =	vshll.u32 v25, $0x4;
	v21 =	vld.idx.msk [tilespmem:v23+s5+$0x0], $0xffff;
	(erf) = vpow2.f32 v26  }
0xf8: {  	v15 =	vmax.f32 v6, $0.0e+00;
	v16 =	vmax.f32 v5, $0.0e+00;
	v24 =	vor.u32 v24, v28  }
0xf9: {  	v14 =	vmax.f32 v4, $0.0e+00;
	v23 =	vshll.u32 v29, $0x4;
	v29 =	vshll.u32 v18, $0x4;
	v18 =	vpop (erf)  }
0xfa: {  	v17 =	vmax.f32 v10, $0.0e+00;
	v23 =	vor.u32 v23, v27;
	v27 =	vor.u32 v30, v34;
	v19 =	vpop (erf)  }
0xfb: {  	v28 =	vor.u32 v29, v32;
	v30 =	vor.u32 v63, v35;
	v26 =	vshll.u32 v33, $0x4;
	v20 =	vpop (erf)  }
0xfc: {  	s24 =	simm.s32 $0x1B1F0;
	s23 =	simm.s32 $0x0;
	v26 =	vor.u32 v26, v31;
	v29 =	vor.u32 v22, v21;
	v22 =	vor.u32 v25, v36;
	v21 =	vpop (erf)  }
.LBB2_8:
0xfd: {  	v25 =	vld [tilespmem:s24+$0xFFFFFFF0];
	v39 =	vor.u32 v0, v26;
	v40 =	vor.u32 v0, v23;
	v38 =	vor.u32 v0, v24;
	v41 =	vpop (erf)  }
0xfe: {  	v42 =	vor.u32 v0, v27;
	v43 =	vor.u32 v0, v30;
	v44 =	vor.u32 v0, v28;
	v26 =	vld [tilespmem:s24+$0x0];
	v45 =	vpop (erf)  }
0xff: {  	v46 =	vor.u32 v0, v29;
	v23 =	vmul.f32 $5.486285310e-02, v18;
	v28 =	vmul.f32 $5.486285310e-02, v19;
	v24 =	vld [tilespmem:s24+$0xFFFFFF70];
	v47 =	vpop (erf)  }
0x100: {  	v48 =	vor.u32 v0, v22;
	v22 =	vmul.f32 $5.486285310e-02, v20;
	v30 =	vmul.f32 $5.486285310e-02, v21;
	v27 =	vld [tilespmem:s24+$0xFFFFFF80];
	v49 =	vpop (erf)  }
0x101: {  	v31 =	vmul.f32 $5.486285310e-02, v41;
	v32 =	vmul.f32 $5.486285310e-02, v45;
	v23 =	vsub.f32 $2.164104430e-01, v23;
	v29 =	vld [tilespmem:s24+$0xFFFFFFD0]  }
0x102: {  	v22 =	vsub.f32 $2.164104430e-01, v22;
	v28 =	vsub.f32 $2.164104430e-01, v28;
	v36 =	vmul.f32 $5.486285310e-02, v47;
	v35 =	vld [tilespmem:s24+$0xFFFFFFE0]  }
0x103: {  	v30 =	vsub.f32 $2.164104430e-01, v30;
	v50 =	vsub.f32 $2.164104430e-01, v31;
	v37 =	vmul.f32 $5.486285310e-02, v49;
	v33 =	vld [tilespmem:s24+$0xFFFFFF50]  }
0x104: {  	v51 =	vsub.f32 $2.164104430e-01, v32;
	v23 =	vmul.f32 v23, v18;
	v28 =	vmul.f32 v28, v19;
	v34 =	vld [tilespmem:s24+$0xFFFFFF60]  }
0x105: {  	v22 =	vmul.f32 v22, v20;
	v52 =	vmul.f32 v30, v21;
	v36 =	vsub.f32 $2.164104430e-01, v36;
	v31 =	vld [tilespmem:s24+$0xFFFFFFB0]  }
0x106: {  	v50 =	vmul.f32 v50, v41;
	v37 =	vsub.f32 $2.164104430e-01, v37;
	v51 =	vmul.f32 v51, v45;
	v32 =	vld [tilespmem:s24+$0xFFFFFFC0]  }
0x107: {  	v23 =	vadd.f32 $-4.640725850e-01, v23;
	v53 =	vadd.f32 $-4.640725850e-01, v28;
	v36 =	vmul.f32 v36, v47;
	v30 =	vld [tilespmem:s24+$0xFFFFFF30]  }
0x108: {  	v52 =	vadd.f32 $-4.640725850e-01, v52;
	v54 =	vmul.f32 v37, v49;
	v37 =	vadd.f32 $-4.640725850e-01, v22;
	v28 =	vld [tilespmem:s24+$0xFFFFFF40]  }
0x109: {  	v50 =	vadd.f32 $-4.640725850e-01, v50;
	v51 =	vadd.f32 $-4.640725850e-01, v51;
	v55 =	vmul.f32 v23, v18;
	v22 =	vld [tilespmem:s24+$0xFFFFFF90]  }
0x10a: {  	v53 =	vmul.f32 v53, v19;
	v56 =	vadd.f32 $-4.640725850e-01, v36;
	v57 =	vmul.f32 v37, v20;
	v23 =	vld [tilespmem:s24+$0xFFFFFFA0]  }
0x10b: {  	v52 =	vmul.f32 v52, v21;
	v50 =	vmul.f32 v50, v41;
	v54 =	vadd.f32 $-4.640725850e-01, v54;
	v37 =	vld [tilespmem:s24+$0xFFFFFF10]  }
0x10c: {  	s22 =	sadd.s32 $0x80, s22;
	v51 =	vmul.f32 v51, v45;
	v55 =	vadd.f32 $9.954273100e-01, v55;
	v53 =	vadd.f32 $9.954273100e-01, v53;
	v36 =	vld [tilespmem:s24+$0xFFFFFF20]  }
0x10d: {  	v52 =	vadd.f32 $9.954273100e-01, v52;
	v56 =	vmul.f32 v56, v47;
	v57 =	vadd.f32 $9.954273100e-01, v57;
	v58 =	vld [tilespmem:s22+$0xFFFFFFF0]  }
0x10e: {  	v50 =	vadd.f32 $9.954273100e-01, v50;
	v54 =	vmul.f32 v54, v49;
	v51 =	vadd.f32 $9.954273100e-01, v51;
	v59 =	vld [tilespmem:s22+$0x0]  }
0x10f: {  	v18 =	vmul.f32 v55, v18;
	v19 =	vmul.f32 v53, v19;
	v56 =	vadd.f32 $9.954273100e-01, v56;
	v40 =	vld.idx.msk [tilespmem:v40+s15+$0x0], $0xffff  }
0x110: {  	v21 =	vmul.f32 v52, v21;
	v53 =	vadd.f32 $9.954273100e-01, v54;
	v20 =	vmul.f32 v57, v20;
	v39 =	vld.idx.msk [tilespmem:v39+s15+$0x0], $0xffff  }
0x111: {  	v41 =	vmul.f32 v50, v41;
	v45 =	vmul.f32 v51, v45;
	v18 =	vadd.f32 $1.415121810e-04, v18;
	v46 =	vld.idx.msk [tilespmem:v46+s15+$0x0], $0xffff  }
0x112: {  	v19 =	vadd.f32 $1.415121810e-04, v19;
	v47 =	vmul.f32 v56, v47;
	v20 =	vadd.f32 $1.415121810e-04, v20;
	v48 =	vld.idx.msk [tilespmem:v48+s15+$0x0], $0xffff  }
0x113: {  	v21 =	vadd.f32 $1.415121810e-04, v21;
	v41 =	vadd.f32 $1.415121810e-04, v41;
	v49 =	vmul.f32 v53, v49;
	v42 =	vld.idx.msk [tilespmem:v42+s15+$0x0], $0xffff  }
0x114: {  	v50 =	vmax.f32 v9, $0.0e+00;
	v45 =	vadd.f32 $1.415121810e-04, v45;
	v47 =	vadd.f32 $1.415121810e-04, v47;
	v43 =	vld.idx.msk [tilespmem:v43+s15+$0x0], $0xffff  }
0x115: {  	v11 =	vadd.f32 v18, v11;
	v49 =	vadd.f32 $1.415121810e-04, v49;
	v18 =	vmul.f32 v8, v40;
	v8 =	vmovc v58;
	v44 =	vld.idx.msk [tilespmem:v44+s15+$0x0], $0xffff  }
0x116: {  	v12 =	vadd.f32 v19, v12;
	v13 =	vadd.f32 v20, v13;
	v20 =	vmul.f32 v7, v39;
	v7 =	vld [tilespmem:s22+$0xFFFFFFD0]  }
0x117: {  	v15 =	vadd.f32 v21, v15;
	v16 =	vadd.f32 v41, v16;
	v10 =	vmul.f32 v10, v46;
	v19 =	vld.idx.msk [tilespmem:v38+s15+$0x0], $0xffff  }
0x118: {  	v17 =	vadd.f32 v47, v17;
	v38 =	vadd.f32 v49, v50;
	v9 =	vmul.f32 v9, v48;
	v21 =	vld [tilespmem:s22+$0xFFFFFFE0]  }
0x119: {  	v14 =	vadd.f32 v45, v14;
	v18 =	vsub.f32 v11, v18;
	v39 =	vmul.f32 v5, v42;
	v5 =	vld [tilespmem:s22+$0xFFFFFFB0]  }
0x11a: {  	v11 =	vsub.f32 v17, v10;
	v17 =	vsub.f32 v38, v9;
	v38 =	vmul.f32 v4, v43;
	v4 =	vld [tilespmem:s22+$0xFFFFFFC0]  }
0x11b: {  	v13 =	vsub.f32 v13, v20;
	v16 =	vsub.f32 v16, v39;
	v39 =	vmul.f32 v6, v44;
	v10 =	vld [tilespmem:s22+$0xFFFFFF90]  }
0x11c: {  	v11 =	vmin.f32 v11, $1.000000000e+02;
	v17 =	vmin.f32 v17, $1.000000000e+02;
	v14 =	vsub.f32 v14, v38;
	v9 =	vld [tilespmem:s22+$0xFFFFFFA0]  }
0x11d: {  	v2 =	vadd.f32 v11, v2;
	v1 =	vadd.f32 v17, v1;
	v11 =	vmul.f32 v3, v19;
	v20 =	vld.idx.msk [tilespmem:v25+s5+$0x0], $0xffff  }
0x11e: {  	v16 =	vmin.f32 v16, $1.000000000e+02;
	v15 =	vsub.f32 v15, v39;
	v3 =	vmovc v59;
	v14 =	vmin.f32 v14, $1.000000000e+02;
	v6 =	vmovc v21;
	v19 =	vld.idx.msk [tilespmem:v26+s5+$0x0], $0xffff  }
0x11f: {  	v2 =	vadd.f32 v16, v2;
	v1 =	vadd.f32 v14, v1;
	v21 =	vld.idx.msk [tilespmem:v24+s5+$0x0], $0xffff  }
0x120: {  	v13 =	vmin.f32 v13, $1.000000000e+02;
	v14 =	vmin.f32 v15, $1.000000000e+02;
	v12 =	vsub.f32 v12, v11;
	v24 =	vld.idx.msk [tilespmem:v27+s5+$0x0], $0xffff  }
0x121: {  	v2 =	vadd.f32 v13, v2;
	v1 =	vadd.f32 v14, v1;
	v25 =	vld.idx.msk [tilespmem:v29+s5+$0x0], $0xffff  }
0x122: {  	v11 =	vmax.f32 v8, $0.0e+00;
	v13 =	vmin.f32 v18, $1.000000000e+02;
	v12 =	vmin.f32 v12, $1.000000000e+02;
	v29 =	vld.idx.msk [tilespmem:v35+s5+$0x0], $0xffff  }
0x123: {  	v14 =	vand.u32 $0x7FFFFFFF, v8;
	v2 =	vadd.f32 v13, v2;
	v1 =	vadd.f32 v12, v1;
	v18 =	vld.idx.msk [tilespmem:v33+s5+$0x0], $0xffff  }
0x124: {  	v15 =	vand.u32 $0x7FFFFFFF, v3;
	v14 =	vmul.f32 $-1.442695020e+00, v14;
	v12 =	vmax.f32 v3, $0.0e+00;
	v26 =	vld.idx.msk [tilespmem:v34+s5+$0x0], $0xffff  }
0x125: {  	v16 =	vand.u32 $0x7FFFFFFF, v7;
	v15 =	vmul.f32 $-1.442695020e+00, v15;
	v13 =	vmax.f32 v7, $0.0e+00;
	v27 =	vld.idx.msk [tilespmem:v31+s5+$0x0], $0xffff  }
0x126: {  	v16 =	vmul.f32 $-1.442695020e+00, v16;
	v17 =	vand.u32 $0x7FFFFFFF, v6;
	v31 =	vld.idx.msk [tilespmem:v32+s5+$0x0], $0xffff;
	(erf) = vpow2.f32 v14  }
0x127: {  	v17 =	vmul.f32 $-1.442695020e+00, v17;
	v14 =	vand.u32 $0x7FFFFFFF, v5;
	v30 =	vld.idx.msk [tilespmem:v30+s5+$0x0], $0xffff;
	(erf) = vpow2.f32 v15  }
0x128: {  	v14 =	vmul.f32 $-1.442695020e+00, v14;
	v15 =	vand.u32 $0x7FFFFFFF, v4;
	v28 =	vld.idx.msk [tilespmem:v28+s5+$0x0], $0xffff;
	(erf) = vpow2.f32 v16  }
0x129: {  	v16 =	vand.u32 $0x7FFFFFFF, v10;
	v33 =	vmul.f32 $-1.442695020e+00, v15;
	v32 =	vld.idx.msk [tilespmem:v37+s5+$0x0], $0xffff;
	(erf) = vpow2.f32 v17  }
0x12a: {  	v15 =	vand.u32 $0x7FFFFFFF, v9;
	v17 =	vmul.f32 $-1.442695020e+00, v16;
	v34 =	vld.idx.msk [tilespmem:v36+s5+$0x0], $0xffff;
	(erf) = vpow2.f32 v14  }
0x12b: {  	v35 =	vmul.f32 $-1.442695020e+00, v15;
	v15 =	vmax.f32 v6, $0.0e+00;
	v22 =	vld.idx.msk [tilespmem:v22+s5+$0x0], $0xffff;
	(erf) = vpow2.f32 v33  }
0x12c: {  	s23 =	sadd.s32 $0x4, s23;
	v16 =	vmax.f32 v5, $0.0e+00;
	v14 =	vmax.f32 v4, $0.0e+00;
	v33 =	vld.idx.msk [tilespmem:v23+s5+$0x0], $0xffff;
	(erf) = vpow2.f32 v17  }
0x12d: {  	p0 =	slt.u32 s23, $0x60;
	v21 =	vshll.u32 v21, $0x4;
	v17 =	vmax.f32 v10, $0.0e+00;
	(erf) = vpow2.f32 v35  }
.Ltmp7:
0x12e: {  	v24 =	vshll.u32 v24, $0x4;
	v36 =	vshll.u32 v26, $0x4;
	v35 =	vshll.u32 v18, $0x4;
	(pc) =	sbr.rel @p0 .LBB2_8-.Ltmp7, $4  }
0x12f: {  	v26 =	vshll.u32 v30, $0x4;
	v30 =	vshll.u32 v28, $0x4;
	v32 =	vshll.u32 v32, $0x4;
	v18 =	vpop (erf)  }
0x130: {  	v24 =	vor.u32 v24, v19;
	v23 =	vor.u32 v21, v20;
	v34 =	vshll.u32 v34, $0x4;
	v19 =	vpop (erf)  }
0x131: {  	v27 =	vor.u32 v26, v27;
	v28 =	vor.u32 v36, v29;
	v26 =	vor.u32 v35, v25;
	v20 =	vpop (erf)  }
0x132: {  	s24 =	sadd.s32 $0x100, s24;
	v30 =	vor.u32 v30, v31;
	v29 =	vor.u32 v32, v22;
	v22 =	vor.u32 v34, v33;
	v21 =	vpop (erf)  }
0x133: {  	v25 =	vor.u32 v0, v26;
	v23 =	vor.u32 v0, v23;
	v24 =	vor.u32 v0, v24  }
0x134: {  	v46 =	vor.u32 v0, v27;
	v47 =	vor.u32 v0, v30;
	v28 =	vor.u32 v0, v28  }
0x135: {  	v48 =	vpop (erf);
	v29 =	vor.u32 v0, v29;
	v31 =	vmul.f32 $5.486285310e-02, v18;
	v32 =	vmul.f32 $5.486285310e-02, v19  }
0x136: {  	v22 =	vor.u32 v0, v22;
	v34 =	vmul.f32 $5.486285310e-02, v20;
	v35 =	vmul.f32 $5.486285310e-02, v21;
	v33 =	vpop (erf)  }
0x137: {  	v56 =	vmax.f32 v9, $0.0e+00;
	v37 =	vmul.f32 $5.486285310e-02, v48;
	v36 =	vpop (erf);
	v31 =	vsub.f32 $2.164104430e-01, v31  }
0x138: {  	v38 =	vmul.f32 $5.486285310e-02, v33;
	v34 =	vsub.f32 $2.164104430e-01, v34;
	v32 =	vsub.f32 $2.164104430e-01, v32;
	v39 =	vpop (erf)  }
0x139: {  	v35 =	vsub.f32 $2.164104430e-01, v35;
	v40 =	vmul.f32 $5.486285310e-02, v36;
	v41 =	vmul.f32 $5.486285310e-02, v39  }
0x13a: {  	v37 =	vsub.f32 $2.164104430e-01, v37;
	v31 =	vmul.f32 v31, v18;
	v32 =	vmul.f32 v32, v19  }
0x13b: {  	v38 =	vsub.f32 $2.164104430e-01, v38;
	v34 =	vmul.f32 v34, v20;
	v35 =	vmul.f32 v35, v21  }
0x13c: {  	v40 =	vsub.f32 $2.164104430e-01, v40;
	v37 =	vmul.f32 v37, v48;
	v41 =	vsub.f32 $2.164104430e-01, v41  }
0x13d: {  	v38 =	vmul.f32 v38, v33;
	v31 =	vadd.f32 $-4.640725850e-01, v31;
	v32 =	vadd.f32 $-4.640725850e-01, v32  }
0x13e: {  	v34 =	vadd.f32 $-4.640725850e-01, v34;
	v35 =	vadd.f32 $-4.640725850e-01, v35;
	v40 =	vmul.f32 v40, v36  }
0x13f: {  	v37 =	vadd.f32 $-4.640725850e-01, v37;
	v41 =	vmul.f32 v41, v39;
	v31 =	vmul.f32 v31, v18  }
0x140: {  	v38 =	vadd.f32 $-4.640725850e-01, v38;
	v34 =	vmul.f32 v34, v20;
	v32 =	vmul.f32 v32, v19  }
0x141: {  	v35 =	vmul.f32 v35, v21;
	v40 =	vadd.f32 $-4.640725850e-01, v40;
	v41 =	vadd.f32 $-4.640725850e-01, v41  }
0x142: {  	v37 =	vmul.f32 v37, v48;
	v31 =	vadd.f32 $9.954273100e-01, v31;
	v32 =	vadd.f32 $9.954273100e-01, v32  }
0x143: {  	v38 =	vmul.f32 v38, v33;
	v34 =	vadd.f32 $9.954273100e-01, v34;
	v35 =	vadd.f32 $9.954273100e-01, v35  }
0x144: {  	v40 =	vmul.f32 v40, v36;
	v37 =	vadd.f32 $9.954273100e-01, v37;
	v41 =	vmul.f32 v41, v39  }
0x145: {  	v38 =	vadd.f32 $9.954273100e-01, v38;
	v49 =	vmul.f32 v31, v18;
	v50 =	vmul.f32 v32, v19  }
0x146: {  	v23 =	vld.idx.msk [tilespmem:v23+s15+$0x0], $0xffff;
	v52 =	vmul.f32 v34, v20;
	v53 =	vmul.f32 v35, v21;
	v40 =	vadd.f32 $9.954273100e-01, v40  }
0x147: {  	v25 =	vld.idx.msk [tilespmem:v25+s15+$0x0], $0xffff;
	v30 =	vmul.f32 v37, v48;
	v51 =	vadd.f32 $9.954273100e-01, v41;
	v18 =	vadd.f32 $1.415121810e-04, v49  }
0x148: {  	v29 =	vld.idx.msk [tilespmem:v29+s15+$0x0], $0xffff;
	v54 =	vmul.f32 v38, v33;
	v20 =	vadd.f32 $1.415121810e-04, v52;
	v19 =	vadd.f32 $1.415121810e-04, v50  }
0x149: {  	v22 =	vld.idx.msk [tilespmem:v22+s15+$0x0], $0xffff;
	v21 =	vadd.f32 $1.415121810e-04, v53;
	v55 =	vmul.f32 v40, v36;
	v30 =	vadd.f32 $1.415121810e-04, v30  }
0x14a: {  	v26 =	vld.idx.msk [tilespmem:v46+s15+$0x0], $0xffff;
	v31 =	vmul.f32 v51, v39;
	v32 =	vadd.f32 $1.415121810e-04, v54;
	v11 =	vadd.f32 v18, v11  }
0x14b: {  	v27 =	vld.idx.msk [tilespmem:v47+s15+$0x0], $0xffff;
	v8 =	vmul.f32 v8, v23;
	v13 =	vadd.f32 v20, v13;
	v12 =	vadd.f32 v19, v12  }
0x14c: {  	v57 =	vld.idx.msk [tilespmem:v28+s15+$0x0], $0xffff;
	v7 =	vmul.f32 v7, v25;
	v33 =	vadd.f32 $1.415121810e-04, v55;
	v31 =	vadd.f32 $1.415121810e-04, v31  }
0x14d: {  	v10 =	vmul.f32 v10, v29;
	v15 =	vadd.f32 v21, v15;
	v16 =	vadd.f32 v30, v16  }
0x14e: {  	v58 =	vld.idx.msk [tilespmem:v24+s15+$0x0], $0xffff;
	v60 =	vmul.f32 v9, v22;
	v17 =	vadd.f32 v33, v17;
	v59 =	vadd.f32 v31, v56  }
0x14f: {  	v5 =	vmul.f32 v5, v26;
	v14 =	vadd.f32 v32, v14;
	v8 =	vsub.f32 v11, v8  }
0x150: {  	v4 =	vmul.f32 v4, v27;
	v10 =	vsub.f32 v17, v10;
	v9 =	vsub.f32 v59, v60  }
0x151: {  	v6 =	vmul.f32 v6, v57;
	v7 =	vsub.f32 v13, v7;
	v5 =	vsub.f32 v16, v5  }
0x152: {  	v4 =	vsub.f32 v14, v4;
	v10 =	vmin.f32 v10, $1.000000000e+02;
	v9 =	vmin.f32 v9, $1.000000000e+02  }
0x153: {  	v3 =	vmul.f32 v3, v58;
	v2 =	vadd.f32 v10, v2;
	v1 =	vadd.f32 v9, v1  }
0x154: {  	v6 =	vsub.f32 v15, v6;
	v5 =	vmin.f32 v5, $1.000000000e+02;
	v4 =	vmin.f32 v4, $1.000000000e+02  }
0x155: {  	v2 =	vadd.f32 v5, v2;
	v1 =	vadd.f32 v4, v1  }
.Ltmp8:
0x156: {  	v3 =	vsub.f32 v12, v3;
	v61 =	vmin.f32 v7, $1.000000000e+02;
	v62 =	vmin.f32 v6, $1.000000000e+02;
	(pc) =	sbr.rel .LBB2_10-.Ltmp8, $3  }
0x157: {  	v2 =	vadd.f32 v61, v2;
	v1 =	vadd.f32 v62, v1  }
0x158: {  	v63 =	vmin.f32 v8, $1.000000000e+02;
	v3 =	vmin.f32 v3, $1.000000000e+02  }
0x159: {  	v2 =	vadd.f32 v63, v2;
	v1 =	vadd.f32 v3, v1;
	_ =	sdelay $0x1  }
.LBB2_12:
0x15a: {  	_ =	sfence.sel $0x180000  }
0x15b: {  	[bflag:$0x0] =	sbarrier.arrive $0xFFFF  }
0x15c: {  	p0 =	sne.s32 s4, $0x0;
	_ =	strace $0x90000047  }
0x15d: {  	s0 =	sadd.s32 @!p0 $0x100000, s0;
	[bflag:$0x2] =	sbarrier.arrive $0xFFFF  }
0x15e: {  	[sflag:s0] =	ssyncadd.tile.s32 @!p0 $0x1;
	_ =	shalt  }
.Lfunc_end2:
_tile_overlayer_lowered:
.L_overlay_start_2:
0x15f: {  	(tag) =	ssettag $0x2  }
0x160: {  	s0 =	rddreg [dreg:$0x0];
	s2 =	stileid.u32  }
0x161: {  	s1 =	rddreg [dreg:$0x1];
	p0 =	sne.s32 s2, $0x0  }
0x162: {  	s3 =	rddreg [dreg:$0x2];
	[bflag:$0x3] =	sbarrier.arrive $0xFFFF;
	s2 =	simm.s32 @!p0 $0x1C03  }
0x163: {  	[timem:s3], [sflag:s2] =	dma.local @!p0 [hbm:s0], s1  }
0x164: {  	s0 =	simm.s32 @!p0 $0x3  }
0x165: {  	_ =	swait.ge @!p0 [sflag:s0], s1  }
0x166: {  	s1 =	ssub.s32 @!p0 $0x0, s1;
	[sflag:s0] =	ssyncset.done @!p0 $0x0  }
0x167: {  	[sflag:s0] =	ssyncadd.s32 @!p0 s1  }
0x168: {  	[bflag:$0x3] =	sbarrier.arrive $0xFFFF  }
0x169: {  	_ =	shalt  }

</sc_bundles>
